<compile_context>
chip_gen: v7x
topology: tpu7x:2x2x1
jax: 0.10.2.dev20260603
libtpu: 0.0.44.dev20260713+nightly
codegen_flags: <defaults>
</compile_context>

<pallas_src>
import functools

import jax
import jax.numpy as jnp
import numpy as np
from jax import lax
from jax.experimental import pallas as pl
from jax.experimental.pallas import tpu as pltpu
from jax.experimental.pallas import tpu_sc as plsc

_NC = 2
_NS = 16
_NW = _NC * _NS
_CHUNK = 128
_LANES = 16


def _half_perms(d):
    j = np.arange(d // 2)
    c, t = j // _LANES, j % _LANES
    return 2 * _LANES * c + t, 2 * _LANES * c + _LANES + t


def _sc_gather(uids, iids, user_emb, item_emb):
    b = uids.shape[0]
    d = user_emb.shape[1]
    rows_per_w = b // _NW
    nchunk = rows_per_w // _CHUNK
    nslot = min(2, nchunk)
    nword = d // 2
    mesh = plsc.VectorSubcoreMesh(core_axis_name="c", subcore_axis_name="s")

    @functools.partial(
        pl.kernel,
        out_type=jax.ShapeDtypeStruct((b, d), jnp.int32),
        mesh=mesh,
        scratch_types=[
            pltpu.VMEM((rows_per_w,), jnp.int32),
            pltpu.VMEM((rows_per_w,), jnp.int32),
            pltpu.VMEM((2 * nslot * _CHUNK, d), jnp.float32),
            pltpu.VMEM((nslot * _CHUNK, d), jnp.int32),
            pltpu.SemaphoreType.DMA((2 * nslot,)),
            pltpu.SemaphoreType.DMA((nslot,)),
            pltpu.SemaphoreType.DMA((2,)),
        ],
    )
    def gather_kernel(u_hbm, i_hbm, ue_hbm, ie_hbm, out,
                      uidx_v, iidx_v, rows_v, pk_v, sem_g, sem_o, sem_idx):
        wid = lax.axis_index("s") * _NC + lax.axis_index("c")
        base = wid * rows_per_w
        h_uidx = pltpu.async_copy(u_hbm.at[pl.ds(base, rows_per_w)], uidx_v,
                                  sem_idx.at[0])
        h_iidx = pltpu.async_copy(i_hbm.at[pl.ds(base, rows_per_w)], iidx_v,
                                  sem_idx.at[1])
        h_uidx.wait()
        h_iidx.wait()

        def gather(j):
            slot = j % nslot
            hs = []
            for half, (idx_v, table_hbm) in enumerate(
                    ((uidx_v, ue_hbm), (iidx_v, ie_hbm))):
                buf = 2 * slot + half
                hs.append(pltpu.async_copy(
                    table_hbm.at[idx_v.at[pl.ds(j * _CHUNK, _CHUNK)]],
                    rows_v.at[pl.ds(buf * _CHUNK, _CHUNK)],
                    sem_g.at[buf],
                ))
            return hs

        half_bit = jnp.int32(0x8000)
        hi_mask = jnp.int32(-65536)

        def convert(slot):
            def row_body(r, carry):
                row = slot * _CHUNK + r
                for half in range(2):
                    src = (2 * slot + half) * _CHUNK + r
                    for c in range(d // (2 * _LANES)):
                        a = lax.bitcast_convert_type(
                            rows_v[src, pl.ds(2 * _LANES * c, _LANES)],
                            jnp.int32)
                        bb = lax.bitcast_convert_type(
                            rows_v[src,
                                   pl.ds(2 * _LANES * c + _LANES, _LANES)],
                            jnp.int32)
                        lo = lax.shift_right_logical(a + half_bit, 16)
                        hi = (bb + half_bit) & hi_mask
                        pk_v[row, pl.ds(half * nword + _LANES * c, _LANES)
                             ] = lo | hi
                return carry
            lax.fori_loop(0, _CHUNK, row_body, 0)

        gh = [gather(j) for j in range(min(nslot, nchunk))]
        gh += [None] * (nchunk - len(gh))
        outs = [None] * nslot
        for j in range(nchunk):
            slot = j % nslot
            for h in gh[j]:
                h.wait()
            if outs[slot] is not None:
                outs[slot].wait()
            convert(slot)
            outs[slot] = pltpu.async_copy(
                pk_v.at[pl.ds(slot * _CHUNK, _CHUNK)],
                out.at[pl.ds(base + j * _CHUNK, _CHUNK)],
                sem_o.at[slot],
            )
            nj = j + nslot
            if nj < nchunk:
                gh[nj] = gather(nj)
        for o in outs:
            if o is not None:
                o.wait()

    return gather_kernel(uids, iids, user_emb, item_emb)


def _mlp_body(x_ref, w1lo_ref, w1hi_ref, b1_ref, w2_ref, b2_ref,
              w3_ref, b3_ref, o_ref):
    ct = (((1,), (1,)), ((), ()))
    x = x_ref[...]
    xlo = lax.bitcast_convert_type(lax.shift_left(x, 16), jnp.float32)
    xhi = lax.bitcast_convert_type(x & jnp.int32(-65536), jnp.float32)
    h = lax.dot_general(xlo, w1lo_ref[...], ct,
                        preferred_element_type=jnp.float32)
    h = h + lax.dot_general(xhi, w1hi_ref[...], ct,
                            preferred_element_type=jnp.float32)
    h = jnp.maximum(h + b1_ref[...], 0.0)
    h2 = lax.dot_general(h, w2_ref[...], ct,
                         preferred_element_type=jnp.float32)
    h2 = jnp.maximum(h2 + b2_ref[...], 0.0)
    z = lax.dot_general(w3_ref[...], h2, ct,
                        preferred_element_type=jnp.float32)
    o_ref[...] = z.reshape(o_ref.shape) + b3_ref[0]


def _tc_mlp(x, W1lo, W1hi, b1, W2, b2, W3, b3, interpret=False):
    b, d = x.shape
    tile = 4096
    b1r = b1.reshape(1, -1)
    b2r = b2.reshape(1, -1)
    grid = (b // tile,)
    full = lambda shape: pl.BlockSpec(shape, lambda i: (0,) * len(shape))
    return pl.pallas_call(
        _mlp_body,
        grid=grid,
        in_specs=[
            pl.BlockSpec((tile, d), lambda i: (i, 0)),
            full(W1lo.shape),
            full(W1hi.shape),
            full(b1r.shape),
            full(W2.shape),
            full(b2r.shape),
            full(W3.shape),
            pl.BlockSpec(memory_space=pltpu.SMEM),
        ],
        out_specs=pl.BlockSpec((tile,), lambda i: (i,)),
        out_shape=jax.ShapeDtypeStruct((b,), jnp.float32),
        interpret=interpret,
    )(x, W1lo, W1hi, b1r, W2, b2r, W3, b3)


def kernel(user_ids, item_ids, user_emb, item_emb, W1, b1, W2, b2, W3, b3):
    uids = user_ids.astype(jnp.int32)
    iids = item_ids.astype(jnp.int32)
    d = user_emb.shape[1]
    x = _sc_gather(uids, iids, user_emb, item_emb)
    lo_u, hi_u = _half_perms(2 * d)
    lo = np.concatenate([lo_u[: d // 2], d + lo_u[: d // 2]])
    hi = np.concatenate([hi_u[: d // 2], d + hi_u[: d // 2]])
    W1lo = W1[:, lo]
    W1hi = W1[:, hi]
    return _tc_mlp(x, W1lo, W1hi, b1, W2, b2, W3, b3)

# --- scband reference (transcript-rebuilt; emitter-appended) ---
"""Pipeline reference for scband-non-linear-model-82154134438656 (READ-ONLY COPY).

The authoritative reference and input builder live on the scoring server;
editing this copy changes nothing except your own understanding.
"""

import jax, jax.numpy as jnp
import numpy as np

NUM_USERS = 100000
NUM_ITEMS = 100000
EMBED_DIM = 128
BATCH = 16384


def setup_inputs(seed: int = 0) -> dict:
    key = jax.random.key(seed)
    ks = [jax.random.fold_in(key, i) for i in range(10)]
    user_ids = jax.random.randint(ks[0], (BATCH,), 0, NUM_USERS, dtype=jnp.int64) if jax.config.jax_enable_x64 else jax.random.randint(ks[0], (BATCH,), 0, NUM_USERS, dtype=jnp.int32)
    item_ids = jax.random.randint(ks[1], (BATCH,), 0, NUM_ITEMS, dtype=jnp.int32)
    user_ids = user_ids.astype(jnp.int32)
    user_emb = jax.random.normal(ks[2], (NUM_USERS, EMBED_DIM), dtype=jnp.float32)
    item_emb = jax.random.normal(ks[3], (NUM_ITEMS, EMBED_DIM), dtype=jnp.float32)
    d_in = EMBED_DIM * 2
    W1 = jax.random.normal(ks[4], (128, d_in), dtype=jnp.float32) * (1.0 / np.sqrt(d_in))
    b1 = jnp.zeros((128,), dtype=jnp.float32)
    W2 = jax.random.normal(ks[5], (64, 128), dtype=jnp.float32) * (1.0 / np.sqrt(128))
    b2 = jnp.zeros((64,), dtype=jnp.float32)
    W3 = jax.random.normal(ks[6], (1, 64), dtype=jnp.float32) * (1.0 / np.sqrt(64))
    b3 = jnp.zeros((1,), dtype=jnp.float32)
    return {"user_ids": user_ids, "item_ids": item_ids, "user_emb": user_emb, "item_emb": item_emb, "W1": W1, "b1": b1, "W2": W2, "b2": b2, "W3": W3, "b3": b3}


def reference(user_ids, item_ids, user_emb, item_emb, W1, b1, W2, b2, W3, b3):
    # embedding lookups (SparseCore-style gather)
    user_embeds = jnp.take(user_emb, user_ids, axis=0)
    item_embeds = jnp.take(item_emb, item_ids, axis=0)
    x = jnp.concatenate([user_embeds, item_embeds], axis=1)
    x = jax.nn.relu(x @ W1.T + b1)
    x = jax.nn.relu(x @ W2.T + b2)
    x = x @ W3.T + b3
    return jnp.squeeze(x, axis=-1)

if __name__ == "__main__":
    import jax
    _d = setup_inputs()
    print(jax.jit(kernel)(*tuple(_d.values())))

</pallas_src>

<mosaic_0001>
#map = affine_map<(d0, d1) -> (0)>
#map1 = affine_map<(d0, d1) -> (0, 0)>
module attributes {stable_mosaic.version = 14 : i64} {
  func.func @gather_kernel(%arg0: i32, %arg1: i32, %arg2: memref<16384xi32, #tpu.memory_space<hbm>>, %arg3: memref<16384xi32, #tpu.memory_space<hbm>>, %arg4: memref<100000x128xf32, #tpu.memory_space<hbm>>, %arg5: memref<100000x128xf32, #tpu.memory_space<hbm>>, %arg6: memref<16384x128xi32, #tpu.memory_space<hbm>>, %arg7: memref<512xi32, #tpu.memory_space<vmem>>, %arg8: memref<512xi32, #tpu.memory_space<vmem>>, %arg9: memref<512x128xf32, #tpu.memory_space<vmem>>, %arg10: memref<256x128xi32, #tpu.memory_space<vmem>>, %arg11: memref<4x!tpu.dma_semaphore, #tpu.memory_space<semaphore_mem>>, %arg12: memref<2x!tpu.dma_semaphore, #tpu.memory_space<semaphore_mem>>, %arg13: memref<2x!tpu.dma_semaphore, #tpu.memory_space<semaphore_mem>>) attributes {dimension_semantics = [#tpu.dimension_semantics<core_parallel>, #tpu.dimension_semantics<subcore_parallel>], iteration_bounds = array<i64: 2, 16>, scalar_prefetch = 0 : i64, scratch_operands = 7 : i64, tpu.core_type = #tpu.core_type<sc_vector_subcore>, window_params = [{transform_indices = #map}, {transform_indices = #map}, {transform_indices = #map1}, {transform_indices = #map1}, {transform_indices = #map1}]} {
    %mul3A = arith.constant 2 : i32
    %mul3A_0 = arith.muli %arg1, %mul3A : i32
    %add3A = arith.addi %mul3A_0, %arg0 : i32
    %mul3A_1 = arith.constant 512 : i32
    %mul3A_2 = arith.muli %add3A, %mul3A_1 : i32
    %dma_start3A = arith.constant 0 : i32
    %dma_start3A_3 = tpu.memref_slice %arg2[%mul3A_2] : memref<16384xi32, #tpu.memory_space<hbm>> -> memref<512xi32, #tpu.memory_space<hbm>>
    %dma_start3A_4 = tpu.memref_slice %arg13[%dma_start3A] : memref<2x!tpu.dma_semaphore, #tpu.memory_space<semaphore_mem>> -> memref<1x!tpu.dma_semaphore, #tpu.memory_space<semaphore_mem>>
    %dma_start3A_5 = tpu.memref_squeeze %dma_start3A_4 : memref<1x!tpu.dma_semaphore, #tpu.memory_space<semaphore_mem>> -> memref<!tpu.dma_semaphore, #tpu.memory_space<semaphore_mem>>
    %dma_start3A_6 = tpu.memref_slice %arg2[%mul3A_2] : memref<16384xi32, #tpu.memory_space<hbm>> -> memref<512xi32, #tpu.memory_space<hbm>>
    tpu.enqueue_dma source(%dma_start3A_6 : memref<512xi32, #tpu.memory_space<hbm>>) target(%arg7 : memref<512xi32, #tpu.memory_space<vmem>>) target_semaphore(%dma_start3A_5 : memref<!tpu.dma_semaphore, #tpu.memory_space<semaphore_mem>>)
    %dma_start3A_7 = arith.constant 1 : i32
    %dma_start3A_8 = tpu.memref_slice %arg3[%mul3A_2] : memref<16384xi32, #tpu.memory_space<hbm>> -> memref<512xi32, #tpu.memory_space<hbm>>
    %dma_start3A_9 = tpu.memref_slice %arg13[%dma_start3A_7] : memref<2x!tpu.dma_semaphore, #tpu.memory_space<semaphore_mem>> -> memref<1x!tpu.dma_semaphore, #tpu.memory_space<semaphore_mem>>
    %dma_start3A_10 = tpu.memref_squeeze %dma_start3A_9 : memref<1x!tpu.dma_semaphore, #tpu.memory_space<semaphore_mem>> -> memref<!tpu.dma_semaphore, #tpu.memory_space<semaphore_mem>>
    %dma_start3A_11 = tpu.memref_slice %arg3[%mul3A_2] : memref<16384xi32, #tpu.memory_space<hbm>> -> memref<512xi32, #tpu.memory_space<hbm>>
    tpu.enqueue_dma source(%dma_start3A_11 : memref<512xi32, #tpu.memory_space<hbm>>) target(%arg8 : memref<512xi32, #tpu.memory_space<vmem>>) target_semaphore(%dma_start3A_10 : memref<!tpu.dma_semaphore, #tpu.memory_space<semaphore_mem>>)
    %dma_wait3A = arith.constant 0 : i32
    %dma_wait3A_12 = tpu.memref_slice %arg2[%mul3A_2] : memref<16384xi32, #tpu.memory_space<hbm>> -> memref<512xi32, #tpu.memory_space<hbm>>
    %dma_wait3A_13 = tpu.memref_slice %arg13[%dma_wait3A] : memref<2x!tpu.dma_semaphore, #tpu.memory_space<semaphore_mem>> -> memref<1x!tpu.dma_semaphore, #tpu.memory_space<semaphore_mem>>
    %dma_wait3A_14 = tpu.memref_squeeze %dma_wait3A_13 : memref<1x!tpu.dma_semaphore, #tpu.memory_space<semaphore_mem>> -> memref<!tpu.dma_semaphore, #tpu.memory_space<semaphore_mem>>
    %dma_wait3A_15 = tpu.memref_slice %arg2[%mul3A_2] : memref<16384xi32, #tpu.memory_space<hbm>> -> memref<512xi32, #tpu.memory_space<hbm>>
    tpu.wait_dma2 semaphore(%dma_wait3A_14 : memref<!tpu.dma_semaphore, #tpu.memory_space<semaphore_mem>>) src(%dma_wait3A_15 : memref<512xi32, #tpu.memory_space<hbm>>) dst(%arg7 : memref<512xi32, #tpu.memory_space<vmem>>)
    %dma_wait3A_16 = arith.constant 1 : i32
    %dma_wait3A_17 = tpu.memref_slice %arg3[%mul3A_2] : memref<16384xi32, #tpu.memory_space<hbm>> -> memref<512xi32, #tpu.memory_space<hbm>>
    %dma_wait3A_18 = tpu.memref_slice %arg13[%dma_wait3A_16] : memref<2x!tpu.dma_semaphore, #tpu.memory_space<semaphore_mem>> -> memref<1x!tpu.dma_semaphore, #tpu.memory_space<semaphore_mem>>
    %dma_wait3A_19 = tpu.memref_squeeze %dma_wait3A_18 : memref<1x!tpu.dma_semaphore, #tpu.memory_space<semaphore_mem>> -> memref<!tpu.dma_semaphore, #tpu.memory_space<semaphore_mem>>
    %dma_wait3A_20 = tpu.memref_slice %arg3[%mul3A_2] : memref<16384xi32, #tpu.memory_space<hbm>> -> memref<512xi32, #tpu.memory_space<hbm>>
    tpu.wait_dma2 semaphore(%dma_wait3A_19 : memref<!tpu.dma_semaphore, #tpu.memory_space<semaphore_mem>>) src(%dma_wait3A_20 : memref<512xi32, #tpu.memory_space<hbm>>) dst(%arg8 : memref<512xi32, #tpu.memory_space<vmem>>)
    %dma_start3A_21 = arith.constant 0 : i32
    %dma_start3A_22 = arith.constant 0 : i32
    %dma_start3A_23 = arith.constant 0 : i32
    %dma_start3A_24 = tpu.memref_slice %arg9[%dma_start3A_22, %dma_start3A_23] : memref<512x128xf32, #tpu.memory_space<vmem>> -> memref<128x128xf32, #tpu.memory_space<vmem>>
    %dma_start3A_25 = arith.constant 0 : i32
    %dma_start3A_26 = tpu.memref_slice %arg7[%dma_start3A_25] : memref<512xi32, #tpu.memory_space<vmem>> -> memref<128xi32, #tpu.memory_space<vmem>>
    %dma_start3A_27 = arith.constant 0 : i32
    %dma_start3A_28 = arith.constant 0 : i32
    %dma_start3A_29 = tpu.memref_slice %arg4[%dma_start3A_27, %dma_start3A_28] : memref<100000x128xf32, #tpu.memory_space<hbm>> -> memref<100000x128xf32, #tpu.memory_space<hbm>>
    %dma_start3A_30 = tpu.memref_slice %arg11[%dma_start3A_21] : memref<4x!tpu.dma_semaphore, #tpu.memory_space<semaphore_mem>> -> memref<1x!tpu.dma_semaphore, #tpu.memory_space<semaphore_mem>>
    %dma_start3A_31 = tpu.memref_squeeze %dma_start3A_30 : memref<1x!tpu.dma_semaphore, #tpu.memory_space<semaphore_mem>> -> memref<!tpu.dma_semaphore, #tpu.memory_space<semaphore_mem>>
    tpu.enqueue_indirect_dma source(%dma_start3A_29 : memref<100000x128xf32, #tpu.memory_space<hbm>>) target(%dma_start3A_24 : memref<128x128xf32, #tpu.memory_space<vmem>>) offsets(%dma_start3A_26 : memref<128xi32, #tpu.memory_space<vmem>>) semaphore(%dma_start3A_31 : memref<!tpu.dma_semaphore, #tpu.memory_space<semaphore_mem>>)
    %dma_start3A_32 = arith.constant 1 : i32
    %dma_start3A_33 = arith.constant 128 : i32
    %dma_start3A_34 = arith.constant 0 : i32
    %dma_start3A_35 = tpu.memref_slice %arg9[%dma_start3A_33, %dma_start3A_34] : memref<512x128xf32, #tpu.memory_space<vmem>> -> memref<128x128xf32, #tpu.memory_space<vmem>>
    %dma_start3A_36 = arith.constant 0 : i32
    %dma_start3A_37 = tpu.memref_slice %arg8[%dma_start3A_36] : memref<512xi32, #tpu.memory_space<vmem>> -> memref<128xi32, #tpu.memory_space<vmem>>
    %dma_start3A_38 = arith.constant 0 : i32
    %dma_start3A_39 = arith.constant 0 : i32
    %dma_start3A_40 = tpu.memref_slice %arg5[%dma_start3A_38, %dma_start3A_39] : memref<100000x128xf32, #tpu.memory_space<hbm>> -> memref<100000x128xf32, #tpu.memory_space<hbm>>
    %dma_start3A_41 = tpu.memref_slice %arg11[%dma_start3A_32] : memref<4x!tpu.dma_semaphore, #tpu.memory_space<semaphore_mem>> -> memref<1x!tpu.dma_semaphore, #tpu.memory_space<semaphore_mem>>
    %dma_start3A_42 = tpu.memref_squeeze %dma_start3A_41 : memref<1x!tpu.dma_semaphore, #tpu.memory_space<semaphore_mem>> -> memref<!tpu.dma_semaphore, #tpu.memory_space<semaphore_mem>>
    tpu.enqueue_indirect_dma source(%dma_start3A_40 : memref<100000x128xf32, #tpu.memory_space<hbm>>) target(%dma_start3A_35 : memref<128x128xf32, #tpu.memory_space<vmem>>) offsets(%dma_start3A_37 : memref<128xi32, #tpu.memory_space<vmem>>) semaphore(%dma_start3A_42 : memref<!tpu.dma_semaphore, #tpu.memory_space<semaphore_mem>>)
    %dma_start3A_43 = arith.constant 2 : i32
    %dma_start3A_44 = arith.constant 256 : i32
    %dma_start3A_45 = arith.constant 0 : i32
    %dma_start3A_46 = tpu.memref_slice %arg9[%dma_start3A_44, %dma_start3A_45] : memref<512x128xf32, #tpu.memory_space<vmem>> -> memref<128x128xf32, #tpu.memory_space<vmem>>
    %dma_start3A_47 = arith.constant 128 : i32
    %dma_start3A_48 = tpu.memref_slice %arg7[%dma_start3A_47] : memref<512xi32, #tpu.memory_space<vmem>> -> memref<128xi32, #tpu.memory_space<vmem>>
    %dma_start3A_49 = arith.constant 0 : i32
    %dma_start3A_50 = arith.constant 0 : i32
    %dma_start3A_51 = tpu.memref_slice %arg4[%dma_start3A_49, %dma_start3A_50] : memref<100000x128xf32, #tpu.memory_space<hbm>> -> memref<100000x128xf32, #tpu.memory_space<hbm>>
    %dma_start3A_52 = tpu.memref_slice %arg11[%dma_start3A_43] : memref<4x!tpu.dma_semaphore, #tpu.memory_space<semaphore_mem>> -> memref<1x!tpu.dma_semaphore, #tpu.memory_space<semaphore_mem>>
    %dma_start3A_53 = tpu.memref_squeeze %dma_start3A_52 : memref<1x!tpu.dma_semaphore, #tpu.memory_space<semaphore_mem>> -> memref<!tpu.dma_semaphore, #tpu.memory_space<semaphore_mem>>
    tpu.enqueue_indirect_dma source(%dma_start3A_51 : memref<100000x128xf32, #tpu.memory_space<hbm>>) target(%dma_start3A_46 : memref<128x128xf32, #tpu.memory_space<vmem>>) offsets(%dma_start3A_48 : memref<128xi32, #tpu.memory_space<vmem>>) semaphore(%dma_start3A_53 : memref<!tpu.dma_semaphore, #tpu.memory_space<semaphore_mem>>)
    %dma_start3A_54 = arith.constant 3 : i32
    %dma_start3A_55 = arith.constant 384 : i32
    %dma_start3A_56 = arith.constant 0 : i32
    %dma_start3A_57 = tpu.memref_slice %arg9[%dma_start3A_55, %dma_start3A_56] : memref<512x128xf32, #tpu.memory_space<vmem>> -> memref<128x128xf32, #tpu.memory_space<vmem>>
    %dma_start3A_58 = arith.constant 128 : i32
    %dma_start3A_59 = tpu.memref_slice %arg8[%dma_start3A_58] : memref<512xi32, #tpu.memory_space<vmem>> -> memref<128xi32, #tpu.memory_space<vmem>>
    %dma_start3A_60 = arith.constant 0 : i32
    %dma_start3A_61 = arith.constant 0 : i32
    %dma_start3A_62 = tpu.memref_slice %arg5[%dma_start3A_60, %dma_start3A_61] : memref<100000x128xf32, #tpu.memory_space<hbm>> -> memref<100000x128xf32, #tpu.memory_space<hbm>>
    %dma_start3A_63 = tpu.memref_slice %arg11[%dma_start3A_54] : memref<4x!tpu.dma_semaphore, #tpu.memory_space<semaphore_mem>> -> memref<1x!tpu.dma_semaphore, #tpu.memory_space<semaphore_mem>>
    %dma_start3A_64 = tpu.memref_squeeze %dma_start3A_63 : memref<1x!tpu.dma_semaphore, #tpu.memory_space<semaphore_mem>> -> memref<!tpu.dma_semaphore, #tpu.memory_space<semaphore_mem>>
    tpu.enqueue_indirect_dma source(%dma_start3A_62 : memref<100000x128xf32, #tpu.memory_space<hbm>>) target(%dma_start3A_57 : memref<128x128xf32, #tpu.memory_space<vmem>>) offsets(%dma_start3A_59 : memref<128xi32, #tpu.memory_space<vmem>>) semaphore(%dma_start3A_64 : memref<!tpu.dma_semaphore, #tpu.memory_space<semaphore_mem>>)
    %dma_wait3A_65 = arith.constant 0 : i32
    %dma_wait3A_66 = arith.constant 0 : i32
    %dma_wait3A_67 = arith.constant 0 : i32
    %dma_wait3A_68 = tpu.memref_slice %arg9[%dma_wait3A_66, %dma_wait3A_67] : memref<512x128xf32, #tpu.memory_space<vmem>> -> memref<128x128xf32, #tpu.memory_space<vmem>>
    %dma_wait3A_69 = arith.constant 0 : i32
    %dma_wait3A_70 = tpu.memref_slice %arg7[%dma_wait3A_69] : memref<512xi32, #tpu.memory_space<vmem>> -> memref<128xi32, #tpu.memory_space<vmem>>
    %dma_wait3A_71 = arith.constant 0 : i32
    %dma_wait3A_72 = arith.constant 0 : i32
    %dma_wait3A_73 = tpu.memref_slice %arg4[%dma_wait3A_71, %dma_wait3A_72] : memref<100000x128xf32, #tpu.memory_space<hbm>> -> memref<100000x128xf32, #tpu.memory_space<hbm>>
    %dma_wait3A_74 = tpu.memref_slice %arg11[%dma_wait3A_65] : memref<4x!tpu.dma_semaphore, #tpu.memory_space<semaphore_mem>> -> memref<1x!tpu.dma_semaphore, #tpu.memory_space<semaphore_mem>>
    %dma_wait3A_75 = tpu.memref_squeeze %dma_wait3A_74 : memref<1x!tpu.dma_semaphore, #tpu.memory_space<semaphore_mem>> -> memref<!tpu.dma_semaphore, #tpu.memory_space<semaphore_mem>>
    tpu.wait_indirect_dma semaphore(%dma_wait3A_75 : memref<!tpu.dma_semaphore, #tpu.memory_space<semaphore_mem>>) src(%dma_wait3A_73 : memref<100000x128xf32, #tpu.memory_space<hbm>>) dst(%dma_wait3A_68 : memref<128x128xf32, #tpu.memory_space<vmem>>)
    %dma_wait3A_76 = arith.constant 1 : i32
    %dma_wait3A_77 = arith.constant 128 : i32
    %dma_wait3A_78 = arith.constant 0 : i32
    %dma_wait3A_79 = tpu.memref_slice %arg9[%dma_wait3A_77, %dma_wait3A_78] : memref<512x128xf32, #tpu.memory_space<vmem>> -> memref<128x128xf32, #tpu.memory_space<vmem>>
    %dma_wait3A_80 = arith.constant 0 : i32
    %dma_wait3A_81 = tpu.memref_slice %arg8[%dma_wait3A_80] : memref<512xi32, #tpu.memory_space<vmem>> -> memref<128xi32, #tpu.memory_space<vmem>>
    %dma_wait3A_82 = arith.constant 0 : i32
    %dma_wait3A_83 = arith.constant 0 : i32
    %dma_wait3A_84 = tpu.memref_slice %arg5[%dma_wait3A_82, %dma_wait3A_83] : memref<100000x128xf32, #tpu.memory_space<hbm>> -> memref<100000x128xf32, #tpu.memory_space<hbm>>
    %dma_wait3A_85 = tpu.memref_slice %arg11[%dma_wait3A_76] : memref<4x!tpu.dma_semaphore, #tpu.memory_space<semaphore_mem>> -> memref<1x!tpu.dma_semaphore, #tpu.memory_space<semaphore_mem>>
    %dma_wait3A_86 = tpu.memref_squeeze %dma_wait3A_85 : memref<1x!tpu.dma_semaphore, #tpu.memory_space<semaphore_mem>> -> memref<!tpu.dma_semaphore, #tpu.memory_space<semaphore_mem>>
    tpu.wait_indirect_dma semaphore(%dma_wait3A_86 : memref<!tpu.dma_semaphore, #tpu.memory_space<semaphore_mem>>) src(%dma_wait3A_84 : memref<100000x128xf32, #tpu.memory_space<hbm>>) dst(%dma_wait3A_79 : memref<128x128xf32, #tpu.memory_space<vmem>>)
    %scan3A = arith.constant 0 : i32
    %scan3A_87 = arith.constant 32768 : i32
    %scan3A_88 = arith.constant -65536 : i32
    %scan3A_89 = arith.constant 0 : i32
    %scan3A_90 = arith.constant 128 : i32
    %scan3A_91 = arith.addi %scan3A_89, %scan3A_90 : i32
    %scan3A_92 = arith.constant 1 : i32
    scf.for %scan3A_340 = %scan3A_89 to %scan3A_91 step %scan3A_92  : i32 {
      %add3A_341 = arith.constant 0 : i32
      %add3A_342 = arith.addi %add3A_341, %scan3A_340 : i32
      %add3A_343 = arith.constant 0 : i32
      %add3A_344 = arith.addi %add3A_343, %scan3A_340 : i32
      %get3A = arith.index_cast %add3A_344 : i32 to index
      %get3A_345 = arith.constant 0 : index
      %get3A_346 = tpu.vector_load %arg9[%get3A, %get3A_345] {strides = array<i32>} : memref<512x128xf32, #tpu.memory_space<vmem>>, vector<1x16xf32>,
      %get3A_347 = vector.shape_cast %get3A_346 : vector<1x16xf32> to vector<16xf32>
      %bitcast_convert_type3A = tpu.bitcast %get3A_347 : vector<16xf32> -> vector<16xi32>
      %get3A_348 = arith.index_cast %add3A_344 : i32 to index
      %get3A_349 = arith.constant 16 : index
      %get3A_350 = tpu.vector_load %arg9[%get3A_348, %get3A_349] {strides = array<i32>} : memref<512x128xf32, #tpu.memory_space<vmem>>, vector<1x16xf32>,
      %get3A_351 = vector.shape_cast %get3A_350 : vector<1x16xf32> to vector<16xf32>
      %bitcast_convert_type3A_352 = tpu.bitcast %get3A_351 : vector<16xf32> -> vector<16xi32>
      %add3A_353 = vector.broadcast %scan3A_87 : i32 to vector<16xi32>
      %add3A_354 = arith.addi %bitcast_convert_type3A, %add3A_353 : vector<16xi32>
      %shift_right_logical3A = arith.constant 16 : i32
      %shift_right_logical3A_355 = vector.broadcast %shift_right_logical3A : i32 to vector<16xi32>
      %shift_right_logical3A_356 = arith.shrui %add3A_354, %shift_right_logical3A_355 : vector<16xi32>
      %add3A_357 = vector.broadcast %scan3A_87 : i32 to vector<16xi32>
      %add3A_358 = arith.addi %bitcast_convert_type3A_352, %add3A_357 : vector<16xi32>
      %and3A = vector.broadcast %scan3A_88 : i32 to vector<16xi32>
      %and3A_359 = arith.andi %add3A_358, %and3A : vector<16xi32>
      %or3A = arith.ori %shift_right_logical3A_356, %and3A_359 : vector<16xi32>
      %swap3A = arith.index_cast %add3A_342 : i32 to index
      %swap3A_360 = arith.constant 0 : index
      %swap3A_361 = tpu.vector_load %arg10[%swap3A, %swap3A_360] {strides = array<i32>} : memref<256x128xi32, #tpu.memory_space<vmem>>, vector<1x16xi32>,
      %swap3A_362 = vector.shape_cast %swap3A_361 : vector<1x16xi32> to vector<16xi32>
      %swap3A_363 = vector.shape_cast %or3A : vector<16xi32> to vector<1x16xi32>
      tpu.vector_store %arg10[%swap3A, %swap3A_360], %swap3A_363 {strides = array<i32>} : memref<256x128xi32, #tpu.memory_space<vmem>>, vector<1x16xi32>,
      %get3A_364 = arith.index_cast %add3A_344 : i32 to index
      %get3A_365 = arith.constant 32 : index
      %get3A_366 = tpu.vector_load %arg9[%get3A_364, %get3A_365] {strides = array<i32>} : memref<512x128xf32, #tpu.memory_space<vmem>>, vector<1x16xf32>,
      %get3A_367 = vector.shape_cast %get3A_366 : vector<1x16xf32> to vector<16xf32>
      %bitcast_convert_type3A_368 = tpu.bitcast %get3A_367 : vector<16xf32> -> vector<16xi32>
      %get3A_369 = arith.index_cast %add3A_344 : i32 to index
      %get3A_370 = arith.constant 48 : index
      %get3A_371 = tpu.vector_load %arg9[%get3A_369, %get3A_370] {strides = array<i32>} : memref<512x128xf32, #tpu.memory_space<vmem>>, vector<1x16xf32>,
      %get3A_372 = vector.shape_cast %get3A_371 : vector<1x16xf32> to vector<16xf32>
      %bitcast_convert_type3A_373 = tpu.bitcast %get3A_372 : vector<16xf32> -> vector<16xi32>
      %add3A_374 = vector.broadcast %scan3A_87 : i32 to vector<16xi32>
      %add3A_375 = arith.addi %bitcast_convert_type3A_368, %add3A_374 : vector<16xi32>
      %shift_right_logical3A_376 = arith.constant 16 : i32
      %shift_right_logical3A_377 = vector.broadcast %shift_right_logical3A_376 : i32 to vector<16xi32>
      %shift_right_logical3A_378 = arith.shrui %add3A_375, %shift_right_logical3A_377 : vector<16xi32>
      %add3A_379 = vector.broadcast %scan3A_87 : i32 to vector<16xi32>
      %add3A_380 = arith.addi %bitcast_convert_type3A_373, %add3A_379 : vector<16xi32>
      %and3A_381 = vector.broadcast %scan3A_88 : i32 to vector<16xi32>
      %and3A_382 = arith.andi %add3A_380, %and3A_381 : vector<16xi32>
      %or3A_383 = arith.ori %shift_right_logical3A_378, %and3A_382 : vector<16xi32>
      %swap3A_384 = arith.index_cast %add3A_342 : i32 to index
      %swap3A_385 = arith.constant 16 : index
      %swap3A_386 = tpu.vector_load %arg10[%swap3A_384, %swap3A_385] {strides = array<i32>} : memref<256x128xi32, #tpu.memory_space<vmem>>, vector<1x16xi32>,
      %swap3A_387 = vector.shape_cast %swap3A_386 : vector<1x16xi32> to vector<16xi32>
      %swap3A_388 = vector.shape_cast %or3A_383 : vector<16xi32> to vector<1x16xi32>
      tpu.vector_store %arg10[%swap3A_384, %swap3A_385], %swap3A_388 {strides = array<i32>} : memref<256x128xi32, #tpu.memory_space<vmem>>, vector<1x16xi32>,
      %get3A_389 = arith.index_cast %add3A_344 : i32 to index
      %get3A_390 = arith.constant 64 : index
      %get3A_391 = tpu.vector_load %arg9[%get3A_389, %get3A_390] {strides = array<i32>} : memref<512x128xf32, #tpu.memory_space<vmem>>, vector<1x16xf32>,
      %get3A_392 = vector.shape_cast %get3A_391 : vector<1x16xf32> to vector<16xf32>
      %bitcast_convert_type3A_393 = tpu.bitcast %get3A_392 : vector<16xf32> -> vector<16xi32>
      %get3A_394 = arith.index_cast %add3A_344 : i32 to index
      %get3A_395 = arith.constant 80 : index
      %get3A_396 = tpu.vector_load %arg9[%get3A_394, %get3A_395] {strides = array<i32>} : memref<512x128xf32, #tpu.memory_space<vmem>>, vector<1x16xf32>,
      %get3A_397 = vector.shape_cast %get3A_396 : vector<1x16xf32> to vector<16xf32>
      %bitcast_convert_type3A_398 = tpu.bitcast %get3A_397 : vector<16xf32> -> vector<16xi32>
      %add3A_399 = vector.broadcast %scan3A_87 : i32 to vector<16xi32>
      %add3A_400 = arith.addi %bitcast_convert_type3A_393, %add3A_399 : vector<16xi32>
      %shift_right_logical3A_401 = arith.constant 16 : i32
      %shift_right_logical3A_402 = vector.broadcast %shift_right_logical3A_401 : i32 to vector<16xi32>
      %shift_right_logical3A_403 = arith.shrui %add3A_400, %shift_right_logical3A_402 : vector<16xi32>
      %add3A_404 = vector.broadcast %scan3A_87 : i32 to vector<16xi32>
      %add3A_405 = arith.addi %bitcast_convert_type3A_398, %add3A_404 : vector<16xi32>
      %and3A_406 = vector.broadcast %scan3A_88 : i32 to vector<16xi32>
      %and3A_407 = arith.andi %add3A_405, %and3A_406 : vector<16xi32>
      %or3A_408 = arith.ori %shift_right_logical3A_403, %and3A_407 : vector<16xi32>
      %swap3A_409 = arith.index_cast %add3A_342 : i32 to index
      %swap3A_410 = arith.constant 32 : index
      %swap3A_411 = tpu.vector_load %arg10[%swap3A_409, %swap3A_410] {strides = array<i32>} : memref<256x128xi32, #tpu.memory_space<vmem>>, vector<1x16xi32>,
      %swap3A_412 = vector.shape_cast %swap3A_411 : vector<1x16xi32> to vector<16xi32>
      %swap3A_413 = vector.shape_cast %or3A_408 : vector<16xi32> to vector<1x16xi32>
      tpu.vector_store %arg10[%swap3A_409, %swap3A_410], %swap3A_413 {strides = array<i32>} : memref<256x128xi32, #tpu.memory_space<vmem>>, vector<1x16xi32>,
      %get3A_414 = arith.index_cast %add3A_344 : i32 to index
      %get3A_415 = arith.constant 96 : index
      %get3A_416 = tpu.vector_load %arg9[%get3A_414, %get3A_415] {strides = array<i32>} : memref<512x128xf32, #tpu.memory_space<vmem>>, vector<1x16xf32>,
      %get3A_417 = vector.shape_cast %get3A_416 : vector<1x16xf32> to vector<16xf32>
      %bitcast_convert_type3A_418 = tpu.bitcast %get3A_417 : vector<16xf32> -> vector<16xi32>
      %get3A_419 = arith.index_cast %add3A_344 : i32 to index
      %get3A_420 = arith.constant 112 : index
      %get3A_421 = tpu.vector_load %arg9[%get3A_419, %get3A_420] {strides = array<i32>} : memref<512x128xf32, #tpu.memory_space<vmem>>, vector<1x16xf32>,
      %get3A_422 = vector.shape_cast %get3A_421 : vector<1x16xf32> to vector<16xf32>
      %bitcast_convert_type3A_423 = tpu.bitcast %get3A_422 : vector<16xf32> -> vector<16xi32>
      %add3A_424 = vector.broadcast %scan3A_87 : i32 to vector<16xi32>
      %add3A_425 = arith.addi %bitcast_convert_type3A_418, %add3A_424 : vector<16xi32>
      %shift_right_logical3A_426 = arith.constant 16 : i32
      %shift_right_logical3A_427 = vector.broadcast %shift_right_logical3A_426 : i32 to vector<16xi32>
      %shift_right_logical3A_428 = arith.shrui %add3A_425, %shift_right_logical3A_427 : vector<16xi32>
      %add3A_429 = vector.broadcast %scan3A_87 : i32 to vector<16xi32>
      %add3A_430 = arith.addi %bitcast_convert_type3A_423, %add3A_429 : vector<16xi32>
      %and3A_431 = vector.broadcast %scan3A_88 : i32 to vector<16xi32>
      %and3A_432 = arith.andi %add3A_430, %and3A_431 : vector<16xi32>
      %or3A_433 = arith.ori %shift_right_logical3A_428, %and3A_432 : vector<16xi32>
      %swap3A_434 = arith.index_cast %add3A_342 : i32 to index
      %swap3A_435 = arith.constant 48 : index
      %swap3A_436 = tpu.vector_load %arg10[%swap3A_434, %swap3A_435] {strides = array<i32>} : memref<256x128xi32, #tpu.memory_space<vmem>>, vector<1x16xi32>,
      %swap3A_437 = vector.shape_cast %swap3A_436 : vector<1x16xi32> to vector<16xi32>
      %swap3A_438 = vector.shape_cast %or3A_433 : vector<16xi32> to vector<1x16xi32>
      tpu.vector_store %arg10[%swap3A_434, %swap3A_435], %swap3A_438 {strides = array<i32>} : memref<256x128xi32, #tpu.memory_space<vmem>>, vector<1x16xi32>,
      %add3A_439 = arith.constant 128 : i32
      %add3A_440 = arith.addi %add3A_439, %scan3A_340 : i32
      %get3A_441 = arith.index_cast %add3A_440 : i32 to index
      %get3A_442 = arith.constant 0 : index
      %get3A_443 = tpu.vector_load %arg9[%get3A_441, %get3A_442] {strides = array<i32>} : memref<512x128xf32, #tpu.memory_space<vmem>>, vector<1x16xf32>,
      %get3A_444 = vector.shape_cast %get3A_443 : vector<1x16xf32> to vector<16xf32>
      %bitcast_convert_type3A_445 = tpu.bitcast %get3A_444 : vector<16xf32> -> vector<16xi32>
      %get3A_446 = arith.index_cast %add3A_440 : i32 to index
      %get3A_447 = arith.constant 16 : index
      %get3A_448 = tpu.vector_load %arg9[%get3A_446, %get3A_447] {strides = array<i32>} : memref<512x128xf32, #tpu.memory_space<vmem>>, vector<1x16xf32>,
      %get3A_449 = vector.shape_cast %get3A_448 : vector<1x16xf32> to vector<16xf32>
      %bitcast_convert_type3A_450 = tpu.bitcast %get3A_449 : vector<16xf32> -> vector<16xi32>
      %add3A_451 = vector.broadcast %scan3A_87 : i32 to vector<16xi32>
      %add3A_452 = arith.addi %bitcast_convert_type3A_445, %add3A_451 : vector<16xi32>
      %shift_right_logical3A_453 = arith.constant 16 : i32
      %shift_right_logical3A_454 = vector.broadcast %shift_right_logical3A_453 : i32 to vector<16xi32>
      %shift_right_logical3A_455 = arith.shrui %add3A_452, %shift_right_logical3A_454 : vector<16xi32>
      %add3A_456 = vector.broadcast %scan3A_87 : i32 to vector<16xi32>
      %add3A_457 = arith.addi %bitcast_convert_type3A_450, %add3A_456 : vector<16xi32>
      %and3A_458 = vector.broadcast %scan3A_88 : i32 to vector<16xi32>
      %and3A_459 = arith.andi %add3A_457, %and3A_458 : vector<16xi32>
      %or3A_460 = arith.ori %shift_right_logical3A_455, %and3A_459 : vector<16xi32>
      %swap3A_461 = arith.index_cast %add3A_342 : i32 to index
      %swap3A_462 = arith.constant 64 : index
      %swap3A_463 = tpu.vector_load %arg10[%swap3A_461, %swap3A_462] {strides = array<i32>} : memref<256x128xi32, #tpu.memory_space<vmem>>, vector<1x16xi32>,
      %swap3A_464 = vector.shape_cast %swap3A_463 : vector<1x16xi32> to vector<16xi32>
      %swap3A_465 = vector.shape_cast %or3A_460 : vector<16xi32> to vector<1x16xi32>
      tpu.vector_store %arg10[%swap3A_461, %swap3A_462], %swap3A_465 {strides = array<i32>} : memref<256x128xi32, #tpu.memory_space<vmem>>, vector<1x16xi32>,
      %get3A_466 = arith.index_cast %add3A_440 : i32 to index
      %get3A_467 = arith.constant 32 : index
      %get3A_468 = tpu.vector_load %arg9[%get3A_466, %get3A_467] {strides = array<i32>} : memref<512x128xf32, #tpu.memory_space<vmem>>, vector<1x16xf32>,
      %get3A_469 = vector.shape_cast %get3A_468 : vector<1x16xf32> to vector<16xf32>
      %bitcast_convert_type3A_470 = tpu.bitcast %get3A_469 : vector<16xf32> -> vector<16xi32>
      %get3A_471 = arith.index_cast %add3A_440 : i32 to index
      %get3A_472 = arith.constant 48 : index
      %get3A_473 = tpu.vector_load %arg9[%get3A_471, %get3A_472] {strides = array<i32>} : memref<512x128xf32, #tpu.memory_space<vmem>>, vector<1x16xf32>,
      %get3A_474 = vector.shape_cast %get3A_473 : vector<1x16xf32> to vector<16xf32>
      %bitcast_convert_type3A_475 = tpu.bitcast %get3A_474 : vector<16xf32> -> vector<16xi32>
      %add3A_476 = vector.broadcast %scan3A_87 : i32 to vector<16xi32>
      %add3A_477 = arith.addi %bitcast_convert_type3A_470, %add3A_476 : vector<16xi32>
      %shift_right_logical3A_478 = arith.constant 16 : i32
      %shift_right_logical3A_479 = vector.broadcast %shift_right_logical3A_478 : i32 to vector<16xi32>
      %shift_right_logical3A_480 = arith.shrui %add3A_477, %shift_right_logical3A_479 : vector<16xi32>
      %add3A_481 = vector.broadcast %scan3A_87 : i32 to vector<16xi32>
      %add3A_482 = arith.addi %bitcast_convert_type3A_475, %add3A_481 : vector<16xi32>
      %and3A_483 = vector.broadcast %scan3A_88 : i32 to vector<16xi32>
      %and3A_484 = arith.andi %add3A_482, %and3A_483 : vector<16xi32>
      %or3A_485 = arith.ori %shift_right_logical3A_480, %and3A_484 : vector<16xi32>
      %swap3A_486 = arith.index_cast %add3A_342 : i32 to index
      %swap3A_487 = arith.constant 80 : index
      %swap3A_488 = tpu.vector_load %arg10[%swap3A_486, %swap3A_487] {strides = array<i32>} : memref<256x128xi32, #tpu.memory_space<vmem>>, vector<1x16xi32>,
      %swap3A_489 = vector.shape_cast %swap3A_488 : vector<1x16xi32> to vector<16xi32>
      %swap3A_490 = vector.shape_cast %or3A_485 : vector<16xi32> to vector<1x16xi32>
      tpu.vector_store %arg10[%swap3A_486, %swap3A_487], %swap3A_490 {strides = array<i32>} : memref<256x128xi32, #tpu.memory_space<vmem>>, vector<1x16xi32>,
      %get3A_491 = arith.index_cast %add3A_440 : i32 to index
      %get3A_492 = arith.constant 64 : index
      %get3A_493 = tpu.vector_load %arg9[%get3A_491, %get3A_492] {strides = array<i32>} : memref<512x128xf32, #tpu.memory_space<vmem>>, vector<1x16xf32>,
      %get3A_494 = vector.shape_cast %get3A_493 : vector<1x16xf32> to vector<16xf32>
      %bitcast_convert_type3A_495 = tpu.bitcast %get3A_494 : vector<16xf32> -> vector<16xi32>
      %get3A_496 = arith.index_cast %add3A_440 : i32 to index
      %get3A_497 = arith.constant 80 : index
      %get3A_498 = tpu.vector_load %arg9[%get3A_496, %get3A_497] {strides = array<i32>} : memref<512x128xf32, #tpu.memory_space<vmem>>, vector<1x16xf32>,
      %get3A_499 = vector.shape_cast %get3A_498 : vector<1x16xf32> to vector<16xf32>
      %bitcast_convert_type3A_500 = tpu.bitcast %get3A_499 : vector<16xf32> -> vector<16xi32>
      %add3A_501 = vector.broadcast %scan3A_87 : i32 to vector<16xi32>
      %add3A_502 = arith.addi %bitcast_convert_type3A_495, %add3A_501 : vector<16xi32>
      %shift_right_logical3A_503 = arith.constant 16 : i32
      %shift_right_logical3A_504 = vector.broadcast %shift_right_logical3A_503 : i32 to vector<16xi32>
      %shift_right_logical3A_505 = arith.shrui %add3A_502, %shift_right_logical3A_504 : vector<16xi32>
      %add3A_506 = vector.broadcast %scan3A_87 : i32 to vector<16xi32>
      %add3A_507 = arith.addi %bitcast_convert_type3A_500, %add3A_506 : vector<16xi32>
      %and3A_508 = vector.broadcast %scan3A_88 : i32 to vector<16xi32>
      %and3A_509 = arith.andi %add3A_507, %and3A_508 : vector<16xi32>
      %or3A_510 = arith.ori %shift_right_logical3A_505, %and3A_509 : vector<16xi32>
      %swap3A_511 = arith.index_cast %add3A_342 : i32 to index
      %swap3A_512 = arith.constant 96 : index
      %swap3A_513 = tpu.vector_load %arg10[%swap3A_511, %swap3A_512] {strides = array<i32>} : memref<256x128xi32, #tpu.memory_space<vmem>>, vector<1x16xi32>,
      %swap3A_514 = vector.shape_cast %swap3A_513 : vector<1x16xi32> to vector<16xi32>
      %swap3A_515 = vector.shape_cast %or3A_510 : vector<16xi32> to vector<1x16xi32>
      tpu.vector_store %arg10[%swap3A_511, %swap3A_512], %swap3A_515 {strides = array<i32>} : memref<256x128xi32, #tpu.memory_space<vmem>>, vector<1x16xi32>,
      %get3A_516 = arith.index_cast %add3A_440 : i32 to index
      %get3A_517 = arith.constant 96 : index
      %get3A_518 = tpu.vector_load %arg9[%get3A_516, %get3A_517] {strides = array<i32>} : memref<512x128xf32, #tpu.memory_space<vmem>>, vector<1x16xf32>,
      %get3A_519 = vector.shape_cast %get3A_518 : vector<1x16xf32> to vector<16xf32>
      %bitcast_convert_type3A_520 = tpu.bitcast %get3A_519 : vector<16xf32> -> vector<16xi32>
      %get3A_521 = arith.index_cast %add3A_440 : i32 to index
      %get3A_522 = arith.constant 112 : index
      %get3A_523 = tpu.vector_load %arg9[%get3A_521, %get3A_522] {strides = array<i32>} : memref<512x128xf32, #tpu.memory_space<vmem>>, vector<1x16xf32>,
      %get3A_524 = vector.shape_cast %get3A_523 : vector<1x16xf32> to vector<16xf32>
      %bitcast_convert_type3A_525 = tpu.bitcast %get3A_524 : vector<16xf32> -> vector<16xi32>
      %add3A_526 = vector.broadcast %scan3A_87 : i32 to vector<16xi32>
      %add3A_527 = arith.addi %bitcast_convert_type3A_520, %add3A_526 : vector<16xi32>
      %shift_right_logical3A_528 = arith.constant 16 : i32
      %shift_right_logical3A_529 = vector.broadcast %shift_right_logical3A_528 : i32 to vector<16xi32>
      %shift_right_logical3A_530 = arith.shrui %add3A_527, %shift_right_logical3A_529 : vector<16xi32>
      %add3A_531 = vector.broadcast %scan3A_87 : i32 to vector<16xi32>
      %add3A_532 = arith.addi %bitcast_convert_type3A_525, %add3A_531 : vector<16xi32>
      %and3A_533 = vector.broadcast %scan3A_88 : i32 to vector<16xi32>
      %and3A_534 = arith.andi %add3A_532, %and3A_533 : vector<16xi32>
      %or3A_535 = arith.ori %shift_right_logical3A_530, %and3A_534 : vector<16xi32>
      %swap3A_536 = arith.index_cast %add3A_342 : i32 to index
      %swap3A_537 = arith.constant 112 : index
      %swap3A_538 = tpu.vector_load %arg10[%swap3A_536, %swap3A_537] {strides = array<i32>} : memref<256x128xi32, #tpu.memory_space<vmem>>, vector<1x16xi32>,
      %swap3A_539 = vector.shape_cast %swap3A_538 : vector<1x16xi32> to vector<16xi32>
      %swap3A_540 = vector.shape_cast %or3A_535 : vector<16xi32> to vector<1x16xi32>
      tpu.vector_store %arg10[%swap3A_536, %swap3A_537], %swap3A_540 {strides = array<i32>} : memref<256x128xi32, #tpu.memory_space<vmem>>, vector<1x16xi32>,
    }
    %scan3A_93 = arith.constant 128 : i32
    %add3A_94 = arith.constant 0 : i32
    %add3A_95 = arith.addi %mul3A_2, %add3A_94 : i32
    %dma_start3A_96 = arith.constant 0 : i32
    %dma_start3A_97 = arith.constant 0 : i32
    %dma_start3A_98 = arith.constant 0 : i32
    %dma_start3A_99 = tpu.memref_slice %arg10[%dma_start3A_97, %dma_start3A_98] : memref<256x128xi32, #tpu.memory_space<vmem>> -> memref<128x128xi32, #tpu.memory_space<vmem>>
    %dma_start3A_100 = arith.constant 0 : i32
    %dma_start3A_101 = tpu.memref_slice %arg6[%add3A_95, %dma_start3A_100] : memref<16384x128xi32, #tpu.memory_space<hbm>> -> memref<128x128xi32, #tpu.memory_space<hbm>>
    %dma_start3A_102 = tpu.memref_slice %arg12[%dma_start3A_96] : memref<2x!tpu.dma_semaphore, #tpu.memory_space<semaphore_mem>> -> memref<1x!tpu.dma_semaphore, #tpu.memory_space<semaphore_mem>>
    %dma_start3A_103 = tpu.memref_squeeze %dma_start3A_102 : memref<1x!tpu.dma_semaphore, #tpu.memory_space<semaphore_mem>> -> memref<!tpu.dma_semaphore, #tpu.memory_space<semaphore_mem>>
    %dma_start3A_104 = arith.constant 0 : i32
    %dma_start3A_105 = tpu.memref_slice %arg6[%add3A_95, %dma_start3A_104] : memref<16384x128xi32, #tpu.memory_space<hbm>> -> memref<128x128xi32, #tpu.memory_space<hbm>>
    %dma_start3A_106 = arith.constant 0 : i32
    %dma_start3A_107 = arith.constant 0 : i32
    %dma_start3A_108 = tpu.memref_slice %arg10[%dma_start3A_106, %dma_start3A_107] : memref<256x128xi32, #tpu.memory_space<vmem>> -> memref<128x128xi32, #tpu.memory_space<vmem>>
    tpu.enqueue_dma source(%dma_start3A_108 : memref<128x128xi32, #tpu.memory_space<vmem>>) target(%dma_start3A_105 : memref<128x128xi32, #tpu.memory_space<hbm>>) target_semaphore(%dma_start3A_103 : memref<!tpu.dma_semaphore, #tpu.memory_space<semaphore_mem>>)
    %dma_start3A_109 = arith.constant 0 : i32
    %dma_start3A_110 = arith.constant 0 : i32
    %dma_start3A_111 = arith.constant 0 : i32
    %dma_start3A_112 = tpu.memref_slice %arg9[%dma_start3A_110, %dma_start3A_111] : memref<512x128xf32, #tpu.memory_space<vmem>> -> memref<128x128xf32, #tpu.memory_space<vmem>>
    %dma_start3A_113 = arith.constant 256 : i32
    %dma_start3A_114 = tpu.memref_slice %arg7[%dma_start3A_113] : memref<512xi32, #tpu.memory_space<vmem>> -> memref<128xi32, #tpu.memory_space<vmem>>
    %dma_start3A_115 = arith.constant 0 : i32
    %dma_start3A_116 = arith.constant 0 : i32
    %dma_start3A_117 = tpu.memref_slice %arg4[%dma_start3A_115, %dma_start3A_116] : memref<100000x128xf32, #tpu.memory_space<hbm>> -> memref<100000x128xf32, #tpu.memory_space<hbm>>
    %dma_start3A_118 = tpu.memref_slice %arg11[%dma_start3A_109] : memref<4x!tpu.dma_semaphore, #tpu.memory_space<semaphore_mem>> -> memref<1x!tpu.dma_semaphore, #tpu.memory_space<semaphore_mem>>
    %dma_start3A_119 = tpu.memref_squeeze %dma_start3A_118 : memref<1x!tpu.dma_semaphore, #tpu.memory_space<semaphore_mem>> -> memref<!tpu.dma_semaphore, #tpu.memory_space<semaphore_mem>>
    tpu.enqueue_indirect_dma source(%dma_start3A_117 : memref<100000x128xf32, #tpu.memory_space<hbm>>) target(%dma_start3A_112 : memref<128x128xf32, #tpu.memory_space<vmem>>) offsets(%dma_start3A_114 : memref<128xi32, #tpu.memory_space<vmem>>) semaphore(%dma_start3A_119 : memref<!tpu.dma_semaphore, #tpu.memory_space<semaphore_mem>>)
    %dma_start3A_120 = arith.constant 1 : i32
    %dma_start3A_121 = arith.constant 128 : i32
    %dma_start3A_122 = arith.constant 0 : i32
    %dma_start3A_123 = tpu.memref_slice %arg9[%dma_start3A_121, %dma_start3A_122] : memref<512x128xf32, #tpu.memory_space<vmem>> -> memref<128x128xf32, #tpu.memory_space<vmem>>
    %dma_start3A_124 = arith.constant 256 : i32
    %dma_start3A_125 = tpu.memref_slice %arg8[%dma_start3A_124] : memref<512xi32, #tpu.memory_space<vmem>> -> memref<128xi32, #tpu.memory_space<vmem>>
    %dma_start3A_126 = arith.constant 0 : i32
    %dma_start3A_127 = arith.constant 0 : i32
    %dma_start3A_128 = tpu.memref_slice %arg5[%dma_start3A_126, %dma_start3A_127] : memref<100000x128xf32, #tpu.memory_space<hbm>> -> memref<100000x128xf32, #tpu.memory_space<hbm>>
    %dma_start3A_129 = tpu.memref_slice %arg11[%dma_start3A_120] : memref<4x!tpu.dma_semaphore, #tpu.memory_space<semaphore_mem>> -> memref<1x!tpu.dma_semaphore, #tpu.memory_space<semaphore_mem>>
    %dma_start3A_130 = tpu.memref_squeeze %dma_start3A_129 : memref<1x!tpu.dma_semaphore, #tpu.memory_space<semaphore_mem>> -> memref<!tpu.dma_semaphore, #tpu.memory_space<semaphore_mem>>
    tpu.enqueue_indirect_dma source(%dma_start3A_128 : memref<100000x128xf32, #tpu.memory_space<hbm>>) target(%dma_start3A_123 : memref<128x128xf32, #tpu.memory_space<vmem>>) offsets(%dma_start3A_125 : memref<128xi32, #tpu.memory_space<vmem>>) semaphore(%dma_start3A_130 : memref<!tpu.dma_semaphore, #tpu.memory_space<semaphore_mem>>)
    %dma_wait3A_131 = arith.constant 2 : i32
    %dma_wait3A_132 = arith.constant 256 : i32
    %dma_wait3A_133 = arith.constant 0 : i32
    %dma_wait3A_134 = tpu.memref_slice %arg9[%dma_wait3A_132, %dma_wait3A_133] : memref<512x128xf32, #tpu.memory_space<vmem>> -> memref<128x128xf32, #tpu.memory_space<vmem>>
    %dma_wait3A_135 = arith.constant 128 : i32
    %dma_wait3A_136 = tpu.memref_slice %arg7[%dma_wait3A_135] : memref<512xi32, #tpu.memory_space<vmem>> -> memref<128xi32, #tpu.memory_space<vmem>>
    %dma_wait3A_137 = arith.constant 0 : i32
    %dma_wait3A_138 = arith.constant 0 : i32
    %dma_wait3A_139 = tpu.memref_slice %arg4[%dma_wait3A_137, %dma_wait3A_138] : memref<100000x128xf32, #tpu.memory_space<hbm>> -> memref<100000x128xf32, #tpu.memory_space<hbm>>
    %dma_wait3A_140 = tpu.memref_slice %arg11[%dma_wait3A_131] : memref<4x!tpu.dma_semaphore, #tpu.memory_space<semaphore_mem>> -> memref<1x!tpu.dma_semaphore, #tpu.memory_space<semaphore_mem>>
    %dma_wait3A_141 = tpu.memref_squeeze %dma_wait3A_140 : memref<1x!tpu.dma_semaphore, #tpu.memory_space<semaphore_mem>> -> memref<!tpu.dma_semaphore, #tpu.memory_space<semaphore_mem>>
    tpu.wait_indirect_dma semaphore(%dma_wait3A_141 : memref<!tpu.dma_semaphore, #tpu.memory_space<semaphore_mem>>) src(%dma_wait3A_139 : memref<100000x128xf32, #tpu.memory_space<hbm>>) dst(%dma_wait3A_134 : memref<128x128xf32, #tpu.memory_space<vmem>>)
    %dma_wait3A_142 = arith.constant 3 : i32
    %dma_wait3A_143 = arith.constant 384 : i32
    %dma_wait3A_144 = arith.constant 0 : i32
    %dma_wait3A_145 = tpu.memref_slice %arg9[%dma_wait3A_143, %dma_wait3A_144] : memref<512x128xf32, #tpu.memory_space<vmem>> -> memref<128x128xf32, #tpu.memory_space<vmem>>
    %dma_wait3A_146 = arith.constant 128 : i32
    %dma_wait3A_147 = tpu.memref_slice %arg8[%dma_wait3A_146] : memref<512xi32, #tpu.memory_space<vmem>> -> memref<128xi32, #tpu.memory_space<vmem>>
    %dma_wait3A_148 = arith.constant 0 : i32
    %dma_wait3A_149 = arith.constant 0 : i32
    %dma_wait3A_150 = tpu.memref_slice %arg5[%dma_wait3A_148, %dma_wait3A_149] : memref<100000x128xf32, #tpu.memory_space<hbm>> -> memref<100000x128xf32, #tpu.memory_space<hbm>>
    %dma_wait3A_151 = tpu.memref_slice %arg11[%dma_wait3A_142] : memref<4x!tpu.dma_semaphore, #tpu.memory_space<semaphore_mem>> -> memref<1x!tpu.dma_semaphore, #tpu.memory_space<semaphore_mem>>
    %dma_wait3A_152 = tpu.memref_squeeze %dma_wait3A_151 : memref<1x!tpu.dma_semaphore, #tpu.memory_space<semaphore_mem>> -> memref<!tpu.dma_semaphore, #tpu.memory_space<semaphore_mem>>
    tpu.wait_indirect_dma semaphore(%dma_wait3A_152 : memref<!tpu.dma_semaphore, #tpu.memory_space<semaphore_mem>>) src(%dma_wait3A_150 : memref<100000x128xf32, #tpu.memory_space<hbm>>) dst(%dma_wait3A_145 : memref<128x128xf32, #tpu.memory_space<vmem>>)
    %scan3A_153 = arith.constant 0 : i32
    %scan3A_154 = arith.constant 32768 : i32
    %scan3A_155 = arith.constant -65536 : i32
    %scan3A_156 = arith.constant 0 : i32
    %scan3A_157 = arith.constant 128 : i32
    %scan3A_158 = arith.addi %scan3A_156, %scan3A_157 : i32
    %scan3A_159 = arith.constant 1 : i32
    scf.for %scan3A_340 = %scan3A_156 to %scan3A_158 step %scan3A_159  : i32 {
      %add3A_341 = arith.constant 128 : i32
      %add3A_342 = arith.addi %add3A_341, %scan3A_340 : i32
      %add3A_343 = arith.constant 256 : i32
      %add3A_344 = arith.addi %add3A_343, %scan3A_340 : i32
      %get3A = arith.index_cast %add3A_344 : i32 to index
      %get3A_345 = arith.constant 0 : index
      %get3A_346 = tpu.vector_load %arg9[%get3A, %get3A_345] {strides = array<i32>} : memref<512x128xf32, #tpu.memory_space<vmem>>, vector<1x16xf32>,
      %get3A_347 = vector.shape_cast %get3A_346 : vector<1x16xf32> to vector<16xf32>
      %bitcast_convert_type3A = tpu.bitcast %get3A_347 : vector<16xf32> -> vector<16xi32>
      %get3A_348 = arith.index_cast %add3A_344 : i32 to index
      %get3A_349 = arith.constant 16 : index
      %get3A_350 = tpu.vector_load %arg9[%get3A_348, %get3A_349] {strides = array<i32>} : memref<512x128xf32, #tpu.memory_space<vmem>>, vector<1x16xf32>,
      %get3A_351 = vector.shape_cast %get3A_350 : vector<1x16xf32> to vector<16xf32>
      %bitcast_convert_type3A_352 = tpu.bitcast %get3A_351 : vector<16xf32> -> vector<16xi32>
      %add3A_353 = vector.broadcast %scan3A_154 : i32 to vector<16xi32>
      %add3A_354 = arith.addi %bitcast_convert_type3A, %add3A_353 : vector<16xi32>
      %shift_right_logical3A = arith.constant 16 : i32
      %shift_right_logical3A_355 = vector.broadcast %shift_right_logical3A : i32 to vector<16xi32>
      %shift_right_logical3A_356 = arith.shrui %add3A_354, %shift_right_logical3A_355 : vector<16xi32>
      %add3A_357 = vector.broadcast %scan3A_154 : i32 to vector<16xi32>
      %add3A_358 = arith.addi %bitcast_convert_type3A_352, %add3A_357 : vector<16xi32>
      %and3A = vector.broadcast %scan3A_155 : i32 to vector<16xi32>
      %and3A_359 = arith.andi %add3A_358, %and3A : vector<16xi32>
      %or3A = arith.ori %shift_right_logical3A_356, %and3A_359 : vector<16xi32>
      %swap3A = arith.index_cast %add3A_342 : i32 to index
      %swap3A_360 = arith.constant 0 : index
      %swap3A_361 = tpu.vector_load %arg10[%swap3A, %swap3A_360] {strides = array<i32>} : memref<256x128xi32, #tpu.memory_space<vmem>>, vector<1x16xi32>,
      %swap3A_362 = vector.shape_cast %swap3A_361 : vector<1x16xi32> to vector<16xi32>
      %swap3A_363 = vector.shape_cast %or3A : vector<16xi32> to vector<1x16xi32>
      tpu.vector_store %arg10[%swap3A, %swap3A_360], %swap3A_363 {strides = array<i32>} : memref<256x128xi32, #tpu.memory_space<vmem>>, vector<1x16xi32>,
      %get3A_364 = arith.index_cast %add3A_344 : i32 to index
      %get3A_365 = arith.constant 32 : index
      %get3A_366 = tpu.vector_load %arg9[%get3A_364, %get3A_365] {strides = array<i32>} : memref<512x128xf32, #tpu.memory_space<vmem>>, vector<1x16xf32>,
      %get3A_367 = vector.shape_cast %get3A_366 : vector<1x16xf32> to vector<16xf32>
      %bitcast_convert_type3A_368 = tpu.bitcast %get3A_367 : vector<16xf32> -> vector<16xi32>
      %get3A_369 = arith.index_cast %add3A_344 : i32 to index
      %get3A_370 = arith.constant 48 : index
      %get3A_371 = tpu.vector_load %arg9[%get3A_369, %get3A_370] {strides = array<i32>} : memref<512x128xf32, #tpu.memory_space<vmem>>, vector<1x16xf32>,
      %get3A_372 = vector.shape_cast %get3A_371 : vector<1x16xf32> to vector<16xf32>
      %bitcast_convert_type3A_373 = tpu.bitcast %get3A_372 : vector<16xf32> -> vector<16xi32>
      %add3A_374 = vector.broadcast %scan3A_154 : i32 to vector<16xi32>
      %add3A_375 = arith.addi %bitcast_convert_type3A_368, %add3A_374 : vector<16xi32>
      %shift_right_logical3A_376 = arith.constant 16 : i32
      %shift_right_logical3A_377 = vector.broadcast %shift_right_logical3A_376 : i32 to vector<16xi32>
      %shift_right_logical3A_378 = arith.shrui %add3A_375, %shift_right_logical3A_377 : vector<16xi32>
      %add3A_379 = vector.broadcast %scan3A_154 : i32 to vector<16xi32>
      %add3A_380 = arith.addi %bitcast_convert_type3A_373, %add3A_379 : vector<16xi32>
      %and3A_381 = vector.broadcast %scan3A_155 : i32 to vector<16xi32>
      %and3A_382 = arith.andi %add3A_380, %and3A_381 : vector<16xi32>
      %or3A_383 = arith.ori %shift_right_logical3A_378, %and3A_382 : vector<16xi32>
      %swap3A_384 = arith.index_cast %add3A_342 : i32 to index
      %swap3A_385 = arith.constant 16 : index
      %swap3A_386 = tpu.vector_load %arg10[%swap3A_384, %swap3A_385] {strides = array<i32>} : memref<256x128xi32, #tpu.memory_space<vmem>>, vector<1x16xi32>,
      %swap3A_387 = vector.shape_cast %swap3A_386 : vector<1x16xi32> to vector<16xi32>
      %swap3A_388 = vector.shape_cast %or3A_383 : vector<16xi32> to vector<1x16xi32>
      tpu.vector_store %arg10[%swap3A_384, %swap3A_385], %swap3A_388 {strides = array<i32>} : memref<256x128xi32, #tpu.memory_space<vmem>>, vector<1x16xi32>,
      %get3A_389 = arith.index_cast %add3A_344 : i32 to index
      %get3A_390 = arith.constant 64 : index
      %get3A_391 = tpu.vector_load %arg9[%get3A_389, %get3A_390] {strides = array<i32>} : memref<512x128xf32, #tpu.memory_space<vmem>>, vector<1x16xf32>,
      %get3A_392 = vector.shape_cast %get3A_391 : vector<1x16xf32> to vector<16xf32>
      %bitcast_convert_type3A_393 = tpu.bitcast %get3A_392 : vector<16xf32> -> vector<16xi32>
      %get3A_394 = arith.index_cast %add3A_344 : i32 to index
      %get3A_395 = arith.constant 80 : index
      %get3A_396 = tpu.vector_load %arg9[%get3A_394, %get3A_395] {strides = array<i32>} : memref<512x128xf32, #tpu.memory_space<vmem>>, vector<1x16xf32>,
      %get3A_397 = vector.shape_cast %get3A_396 : vector<1x16xf32> to vector<16xf32>
      %bitcast_convert_type3A_398 = tpu.bitcast %get3A_397 : vector<16xf32> -> vector<16xi32>
      %add3A_399 = vector.broadcast %scan3A_154 : i32 to vector<16xi32>
      %add3A_400 = arith.addi %bitcast_convert_type3A_393, %add3A_399 : vector<16xi32>
      %shift_right_logical3A_401 = arith.constant 16 : i32
      %shift_right_logical3A_402 = vector.broadcast %shift_right_logical3A_401 : i32 to vector<16xi32>
      %shift_right_logical3A_403 = arith.shrui %add3A_400, %shift_right_logical3A_402 : vector<16xi32>
      %add3A_404 = vector.broadcast %scan3A_154 : i32 to vector<16xi32>
      %add3A_405 = arith.addi %bitcast_convert_type3A_398, %add3A_404 : vector<16xi32>
      %and3A_406 = vector.broadcast %scan3A_155 : i32 to vector<16xi32>
      %and3A_407 = arith.andi %add3A_405, %and3A_406 : vector<16xi32>
      %or3A_408 = arith.ori %shift_right_logical3A_403, %and3A_407 : vector<16xi32>
      %swap3A_409 = arith.index_cast %add3A_342 : i32 to index
      %swap3A_410 = arith.constant 32 : index
      %swap3A_411 = tpu.vector_load %arg10[%swap3A_409, %swap3A_410] {strides = array<i32>} : memref<256x128xi32, #tpu.memory_space<vmem>>, vector<1x16xi32>,
      %swap3A_412 = vector.shape_cast %swap3A_411 : vector<1x16xi32> to vector<16xi32>
      %swap3A_413 = vector.shape_cast %or3A_408 : vector<16xi32> to vector<1x16xi32>
      tpu.vector_store %arg10[%swap3A_409, %swap3A_410], %swap3A_413 {strides = array<i32>} : memref<256x128xi32, #tpu.memory_space<vmem>>, vector<1x16xi32>,
      %get3A_414 = arith.index_cast %add3A_344 : i32 to index
      %get3A_415 = arith.constant 96 : index
      %get3A_416 = tpu.vector_load %arg9[%get3A_414, %get3A_415] {strides = array<i32>} : memref<512x128xf32, #tpu.memory_space<vmem>>, vector<1x16xf32>,
      %get3A_417 = vector.shape_cast %get3A_416 : vector<1x16xf32> to vector<16xf32>
      %bitcast_convert_type3A_418 = tpu.bitcast %get3A_417 : vector<16xf32> -> vector<16xi32>
      %get3A_419 = arith.index_cast %add3A_344 : i32 to index
      %get3A_420 = arith.constant 112 : index
      %get3A_421 = tpu.vector_load %arg9[%get3A_419, %get3A_420] {strides = array<i32>} : memref<512x128xf32, #tpu.memory_space<vmem>>, vector<1x16xf32>,
      %get3A_422 = vector.shape_cast %get3A_421 : vector<1x16xf32> to vector<16xf32>
      %bitcast_convert_type3A_423 = tpu.bitcast %get3A_422 : vector<16xf32> -> vector<16xi32>
      %add3A_424 = vector.broadcast %scan3A_154 : i32 to vector<16xi32>
      %add3A_425 = arith.addi %bitcast_convert_type3A_418, %add3A_424 : vector<16xi32>
      %shift_right_logical3A_426 = arith.constant 16 : i32
      %shift_right_logical3A_427 = vector.broadcast %shift_right_logical3A_426 : i32 to vector<16xi32>
      %shift_right_logical3A_428 = arith.shrui %add3A_425, %shift_right_logical3A_427 : vector<16xi32>
      %add3A_429 = vector.broadcast %scan3A_154 : i32 to vector<16xi32>
      %add3A_430 = arith.addi %bitcast_convert_type3A_423, %add3A_429 : vector<16xi32>
      %and3A_431 = vector.broadcast %scan3A_155 : i32 to vector<16xi32>
      %and3A_432 = arith.andi %add3A_430, %and3A_431 : vector<16xi32>
      %or3A_433 = arith.ori %shift_right_logical3A_428, %and3A_432 : vector<16xi32>
      %swap3A_434 = arith.index_cast %add3A_342 : i32 to index
      %swap3A_435 = arith.constant 48 : index
      %swap3A_436 = tpu.vector_load %arg10[%swap3A_434, %swap3A_435] {strides = array<i32>} : memref<256x128xi32, #tpu.memory_space<vmem>>, vector<1x16xi32>,
      %swap3A_437 = vector.shape_cast %swap3A_436 : vector<1x16xi32> to vector<16xi32>
      %swap3A_438 = vector.shape_cast %or3A_433 : vector<16xi32> to vector<1x16xi32>
      tpu.vector_store %arg10[%swap3A_434, %swap3A_435], %swap3A_438 {strides = array<i32>} : memref<256x128xi32, #tpu.memory_space<vmem>>, vector<1x16xi32>,
      %add3A_439 = arith.constant 384 : i32
      %add3A_440 = arith.addi %add3A_439, %scan3A_340 : i32
      %get3A_441 = arith.index_cast %add3A_440 : i32 to index
      %get3A_442 = arith.constant 0 : index
      %get3A_443 = tpu.vector_load %arg9[%get3A_441, %get3A_442] {strides = array<i32>} : memref<512x128xf32, #tpu.memory_space<vmem>>, vector<1x16xf32>,
      %get3A_444 = vector.shape_cast %get3A_443 : vector<1x16xf32> to vector<16xf32>
      %bitcast_convert_type3A_445 = tpu.bitcast %get3A_444 : vector<16xf32> -> vector<16xi32>
      %get3A_446 = arith.index_cast %add3A_440 : i32 to index
      %get3A_447 = arith.constant 16 : index
      %get3A_448 = tpu.vector_load %arg9[%get3A_446, %get3A_447] {strides = array<i32>} : memref<512x128xf32, #tpu.memory_space<vmem>>, vector<1x16xf32>,
      %get3A_449 = vector.shape_cast %get3A_448 : vector<1x16xf32> to vector<16xf32>
      %bitcast_convert_type3A_450 = tpu.bitcast %get3A_449 : vector<16xf32> -> vector<16xi32>
      %add3A_451 = vector.broadcast %scan3A_154 : i32 to vector<16xi32>
      %add3A_452 = arith.addi %bitcast_convert_type3A_445, %add3A_451 : vector<16xi32>
      %shift_right_logical3A_453 = arith.constant 16 : i32
      %shift_right_logical3A_454 = vector.broadcast %shift_right_logical3A_453 : i32 to vector<16xi32>
      %shift_right_logical3A_455 = arith.shrui %add3A_452, %shift_right_logical3A_454 : vector<16xi32>
      %add3A_456 = vector.broadcast %scan3A_154 : i32 to vector<16xi32>
      %add3A_457 = arith.addi %bitcast_convert_type3A_450, %add3A_456 : vector<16xi32>
      %and3A_458 = vector.broadcast %scan3A_155 : i32 to vector<16xi32>
      %and3A_459 = arith.andi %add3A_457, %and3A_458 : vector<16xi32>
      %or3A_460 = arith.ori %shift_right_logical3A_455, %and3A_459 : vector<16xi32>
      %swap3A_461 = arith.index_cast %add3A_342 : i32 to index
      %swap3A_462 = arith.constant 64 : index
      %swap3A_463 = tpu.vector_load %arg10[%swap3A_461, %swap3A_462] {strides = array<i32>} : memref<256x128xi32, #tpu.memory_space<vmem>>, vector<1x16xi32>,
      %swap3A_464 = vector.shape_cast %swap3A_463 : vector<1x16xi32> to vector<16xi32>
      %swap3A_465 = vector.shape_cast %or3A_460 : vector<16xi32> to vector<1x16xi32>
      tpu.vector_store %arg10[%swap3A_461, %swap3A_462], %swap3A_465 {strides = array<i32>} : memref<256x128xi32, #tpu.memory_space<vmem>>, vector<1x16xi32>,
      %get3A_466 = arith.index_cast %add3A_440 : i32 to index
      %get3A_467 = arith.constant 32 : index
      %get3A_468 = tpu.vector_load %arg9[%get3A_466, %get3A_467] {strides = array<i32>} : memref<512x128xf32, #tpu.memory_space<vmem>>, vector<1x16xf32>,
      %get3A_469 = vector.shape_cast %get3A_468 : vector<1x16xf32> to vector<16xf32>
      %bitcast_convert_type3A_470 = tpu.bitcast %get3A_469 : vector<16xf32> -> vector<16xi32>
      %get3A_471 = arith.index_cast %add3A_440 : i32 to index
      %get3A_472 = arith.constant 48 : index
      %get3A_473 = tpu.vector_load %arg9[%get3A_471, %get3A_472] {strides = array<i32>} : memref<512x128xf32, #tpu.memory_space<vmem>>, vector<1x16xf32>,
      %get3A_474 = vector.shape_cast %get3A_473 : vector<1x16xf32> to vector<16xf32>
      %bitcast_convert_type3A_475 = tpu.bitcast %get3A_474 : vector<16xf32> -> vector<16xi32>
      %add3A_476 = vector.broadcast %scan3A_154 : i32 to vector<16xi32>
      %add3A_477 = arith.addi %bitcast_convert_type3A_470, %add3A_476 : vector<16xi32>
      %shift_right_logical3A_478 = arith.constant 16 : i32
      %shift_right_logical3A_479 = vector.broadcast %shift_right_logical3A_478 : i32 to vector<16xi32>
      %shift_right_logical3A_480 = arith.shrui %add3A_477, %shift_right_logical3A_479 : vector<16xi32>
      %add3A_481 = vector.broadcast %scan3A_154 : i32 to vector<16xi32>
      %add3A_482 = arith.addi %bitcast_convert_type3A_475, %add3A_481 : vector<16xi32>
      %and3A_483 = vector.broadcast %scan3A_155 : i32 to vector<16xi32>
      %and3A_484 = arith.andi %add3A_482, %and3A_483 : vector<16xi32>
      %or3A_485 = arith.ori %shift_right_logical3A_480, %and3A_484 : vector<16xi32>
      %swap3A_486 = arith.index_cast %add3A_342 : i32 to index
      %swap3A_487 = arith.constant 80 : index
      %swap3A_488 = tpu.vector_load %arg10[%swap3A_486, %swap3A_487] {strides = array<i32>} : memref<256x128xi32, #tpu.memory_space<vmem>>, vector<1x16xi32>,
      %swap3A_489 = vector.shape_cast %swap3A_488 : vector<1x16xi32> to vector<16xi32>
      %swap3A_490 = vector.shape_cast %or3A_485 : vector<16xi32> to vector<1x16xi32>
      tpu.vector_store %arg10[%swap3A_486, %swap3A_487], %swap3A_490 {strides = array<i32>} : memref<256x128xi32, #tpu.memory_space<vmem>>, vector<1x16xi32>,
      %get3A_491 = arith.index_cast %add3A_440 : i32 to index
      %get3A_492 = arith.constant 64 : index
      %get3A_493 = tpu.vector_load %arg9[%get3A_491, %get3A_492] {strides = array<i32>} : memref<512x128xf32, #tpu.memory_space<vmem>>, vector<1x16xf32>,
      %get3A_494 = vector.shape_cast %get3A_493 : vector<1x16xf32> to vector<16xf32>
      %bitcast_convert_type3A_495 = tpu.bitcast %get3A_494 : vector<16xf32> -> vector<16xi32>
      %get3A_496 = arith.index_cast %add3A_440 : i32 to index
      %get3A_497 = arith.constant 80 : index
      %get3A_498 = tpu.vector_load %arg9[%get3A_496, %get3A_497] {strides = array<i32>} : memref<512x128xf32, #tpu.memory_space<vmem>>, vector<1x16xf32>,
      %get3A_499 = vector.shape_cast %get3A_498 : vector<1x16xf32> to vector<16xf32>
      %bitcast_convert_type3A_500 = tpu.bitcast %get3A_499 : vector<16xf32> -> vector<16xi32>
      %add3A_501 = vector.broadcast %scan3A_154 : i32 to vector<16xi32>
      %add3A_502 = arith.addi %bitcast_convert_type3A_495, %add3A_501 : vector<16xi32>
      %shift_right_logical3A_503 = arith.constant 16 : i32
      %shift_right_logical3A_504 = vector.broadcast %shift_right_logical3A_503 : i32 to vector<16xi32>
      %shift_right_logical3A_505 = arith.shrui %add3A_502, %shift_right_logical3A_504 : vector<16xi32>
      %add3A_506 = vector.broadcast %scan3A_154 : i32 to vector<16xi32>
      %add3A_507 = arith.addi %bitcast_convert_type3A_500, %add3A_506 : vector<16xi32>
      %and3A_508 = vector.broadcast %scan3A_155 : i32 to vector<16xi32>
      %and3A_509 = arith.andi %add3A_507, %and3A_508 : vector<16xi32>
      %or3A_510 = arith.ori %shift_right_logical3A_505, %and3A_509 : vector<16xi32>
      %swap3A_511 = arith.index_cast %add3A_342 : i32 to index
      %swap3A_512 = arith.constant 96 : index
      %swap3A_513 = tpu.vector_load %arg10[%swap3A_511, %swap3A_512] {strides = array<i32>} : memref<256x128xi32, #tpu.memory_space<vmem>>, vector<1x16xi32>,
      %swap3A_514 = vector.shape_cast %swap3A_513 : vector<1x16xi32> to vector<16xi32>
      %swap3A_515 = vector.shape_cast %or3A_510 : vector<16xi32> to vector<1x16xi32>
      tpu.vector_store %arg10[%swap3A_511, %swap3A_512], %swap3A_515 {strides = array<i32>} : memref<256x128xi32, #tpu.memory_space<vmem>>, vector<1x16xi32>,
      %get3A_516 = arith.index_cast %add3A_440 : i32 to index
      %get3A_517 = arith.constant 96 : index
      %get3A_518 = tpu.vector_load %arg9[%get3A_516, %get3A_517] {strides = array<i32>} : memref<512x128xf32, #tpu.memory_space<vmem>>, vector<1x16xf32>,
      %get3A_519 = vector.shape_cast %get3A_518 : vector<1x16xf32> to vector<16xf32>
      %bitcast_convert_type3A_520 = tpu.bitcast %get3A_519 : vector<16xf32> -> vector<16xi32>
      %get3A_521 = arith.index_cast %add3A_440 : i32 to index
      %get3A_522 = arith.constant 112 : index
      %get3A_523 = tpu.vector_load %arg9[%get3A_521, %get3A_522] {strides = array<i32>} : memref<512x128xf32, #tpu.memory_space<vmem>>, vector<1x16xf32>,
      %get3A_524 = vector.shape_cast %get3A_523 : vector<1x16xf32> to vector<16xf32>
      %bitcast_convert_type3A_525 = tpu.bitcast %get3A_524 : vector<16xf32> -> vector<16xi32>
      %add3A_526 = vector.broadcast %scan3A_154 : i32 to vector<16xi32>
      %add3A_527 = arith.addi %bitcast_convert_type3A_520, %add3A_526 : vector<16xi32>
      %shift_right_logical3A_528 = arith.constant 16 : i32
      %shift_right_logical3A_529 = vector.broadcast %shift_right_logical3A_528 : i32 to vector<16xi32>
      %shift_right_logical3A_530 = arith.shrui %add3A_527, %shift_right_logical3A_529 : vector<16xi32>
      %add3A_531 = vector.broadcast %scan3A_154 : i32 to vector<16xi32>
      %add3A_532 = arith.addi %bitcast_convert_type3A_525, %add3A_531 : vector<16xi32>
      %and3A_533 = vector.broadcast %scan3A_155 : i32 to vector<16xi32>
      %and3A_534 = arith.andi %add3A_532, %and3A_533 : vector<16xi32>
      %or3A_535 = arith.ori %shift_right_logical3A_530, %and3A_534 : vector<16xi32>
      %swap3A_536 = arith.index_cast %add3A_342 : i32 to index
      %swap3A_537 = arith.constant 112 : index
      %swap3A_538 = tpu.vector_load %arg10[%swap3A_536, %swap3A_537] {strides = array<i32>} : memref<256x128xi32, #tpu.memory_space<vmem>>, vector<1x16xi32>,
      %swap3A_539 = vector.shape_cast %swap3A_538 : vector<1x16xi32> to vector<16xi32>
      %swap3A_540 = vector.shape_cast %or3A_535 : vector<16xi32> to vector<1x16xi32>
      tpu.vector_store %arg10[%swap3A_536, %swap3A_537], %swap3A_540 {strides = array<i32>} : memref<256x128xi32, #tpu.memory_space<vmem>>, vector<1x16xi32>,
    }
    %scan3A_160 = arith.constant 128 : i32
    %add3A_161 = arith.constant 128 : i32
    %add3A_162 = arith.addi %mul3A_2, %add3A_161 : i32
    %dma_start3A_163 = arith.constant 1 : i32
    %dma_start3A_164 = arith.constant 128 : i32
    %dma_start3A_165 = arith.constant 0 : i32
    %dma_start3A_166 = tpu.memref_slice %arg10[%dma_start3A_164, %dma_start3A_165] : memref<256x128xi32, #tpu.memory_space<vmem>> -> memref<128x128xi32, #tpu.memory_space<vmem>>
    %dma_start3A_167 = arith.constant 0 : i32
    %dma_start3A_168 = tpu.memref_slice %arg6[%add3A_162, %dma_start3A_167] : memref<16384x128xi32, #tpu.memory_space<hbm>> -> memref<128x128xi32, #tpu.memory_space<hbm>>
    %dma_start3A_169 = tpu.memref_slice %arg12[%dma_start3A_163] : memref<2x!tpu.dma_semaphore, #tpu.memory_space<semaphore_mem>> -> memref<1x!tpu.dma_semaphore, #tpu.memory_space<semaphore_mem>>
    %dma_start3A_170 = tpu.memref_squeeze %dma_start3A_169 : memref<1x!tpu.dma_semaphore, #tpu.memory_space<semaphore_mem>> -> memref<!tpu.dma_semaphore, #tpu.memory_space<semaphore_mem>>
    %dma_start3A_171 = arith.constant 0 : i32
    %dma_start3A_172 = tpu.memref_slice %arg6[%add3A_162, %dma_start3A_171] : memref<16384x128xi32, #tpu.memory_space<hbm>> -> memref<128x128xi32, #tpu.memory_space<hbm>>
    %dma_start3A_173 = arith.constant 128 : i32
    %dma_start3A_174 = arith.constant 0 : i32
    %dma_start3A_175 = tpu.memref_slice %arg10[%dma_start3A_173, %dma_start3A_174] : memref<256x128xi32, #tpu.memory_space<vmem>> -> memref<128x128xi32, #tpu.memory_space<vmem>>
    tpu.enqueue_dma source(%dma_start3A_175 : memref<128x128xi32, #tpu.memory_space<vmem>>) target(%dma_start3A_172 : memref<128x128xi32, #tpu.memory_space<hbm>>) target_semaphore(%dma_start3A_170 : memref<!tpu.dma_semaphore, #tpu.memory_space<semaphore_mem>>)
    %dma_start3A_176 = arith.constant 2 : i32
    %dma_start3A_177 = arith.constant 256 : i32
    %dma_start3A_178 = arith.constant 0 : i32
    %dma_start3A_179 = tpu.memref_slice %arg9[%dma_start3A_177, %dma_start3A_178] : memref<512x128xf32, #tpu.memory_space<vmem>> -> memref<128x128xf32, #tpu.memory_space<vmem>>
    %dma_start3A_180 = arith.constant 384 : i32
    %dma_start3A_181 = tpu.memref_slice %arg7[%dma_start3A_180] : memref<512xi32, #tpu.memory_space<vmem>> -> memref<128xi32, #tpu.memory_space<vmem>>
    %dma_start3A_182 = arith.constant 0 : i32
    %dma_start3A_183 = arith.constant 0 : i32
    %dma_start3A_184 = tpu.memref_slice %arg4[%dma_start3A_182, %dma_start3A_183] : memref<100000x128xf32, #tpu.memory_space<hbm>> -> memref<100000x128xf32, #tpu.memory_space<hbm>>
    %dma_start3A_185 = tpu.memref_slice %arg11[%dma_start3A_176] : memref<4x!tpu.dma_semaphore, #tpu.memory_space<semaphore_mem>> -> memref<1x!tpu.dma_semaphore, #tpu.memory_space<semaphore_mem>>
    %dma_start3A_186 = tpu.memref_squeeze %dma_start3A_185 : memref<1x!tpu.dma_semaphore, #tpu.memory_space<semaphore_mem>> -> memref<!tpu.dma_semaphore, #tpu.memory_space<semaphore_mem>>
    tpu.enqueue_indirect_dma source(%dma_start3A_184 : memref<100000x128xf32, #tpu.memory_space<hbm>>) target(%dma_start3A_179 : memref<128x128xf32, #tpu.memory_space<vmem>>) offsets(%dma_start3A_181 : memref<128xi32, #tpu.memory_space<vmem>>) semaphore(%dma_start3A_186 : memref<!tpu.dma_semaphore, #tpu.memory_space<semaphore_mem>>)
    %dma_start3A_187 = arith.constant 3 : i32
    %dma_start3A_188 = arith.constant 384 : i32
    %dma_start3A_189 = arith.constant 0 : i32
    %dma_start3A_190 = tpu.memref_slice %arg9[%dma_start3A_188, %dma_start3A_189] : memref<512x128xf32, #tpu.memory_space<vmem>> -> memref<128x128xf32, #tpu.memory_space<vmem>>
    %dma_start3A_191 = arith.constant 384 : i32
    %dma_start3A_192 = tpu.memref_slice %arg8[%dma_start3A_191] : memref<512xi32, #tpu.memory_space<vmem>> -> memref<128xi32, #tpu.memory_space<vmem>>
    %dma_start3A_193 = arith.constant 0 : i32
    %dma_start3A_194 = arith.constant 0 : i32
    %dma_start3A_195 = tpu.memref_slice %arg5[%dma_start3A_193, %dma_start3A_194] : memref<100000x128xf32, #tpu.memory_space<hbm>> -> memref<100000x128xf32, #tpu.memory_space<hbm>>
    %dma_start3A_196 = tpu.memref_slice %arg11[%dma_start3A_187] : memref<4x!tpu.dma_semaphore, #tpu.memory_space<semaphore_mem>> -> memref<1x!tpu.dma_semaphore, #tpu.memory_space<semaphore_mem>>
    %dma_start3A_197 = tpu.memref_squeeze %dma_start3A_196 : memref<1x!tpu.dma_semaphore, #tpu.memory_space<semaphore_mem>> -> memref<!tpu.dma_semaphore, #tpu.memory_space<semaphore_mem>>
    tpu.enqueue_indirect_dma source(%dma_start3A_195 : memref<100000x128xf32, #tpu.memory_space<hbm>>) target(%dma_start3A_190 : memref<128x128xf32, #tpu.memory_space<vmem>>) offsets(%dma_start3A_192 : memref<128xi32, #tpu.memory_space<vmem>>) semaphore(%dma_start3A_197 : memref<!tpu.dma_semaphore, #tpu.memory_space<semaphore_mem>>)
    %dma_wait3A_198 = arith.constant 0 : i32
    %dma_wait3A_199 = arith.constant 0 : i32
    %dma_wait3A_200 = arith.constant 0 : i32
    %dma_wait3A_201 = tpu.memref_slice %arg9[%dma_wait3A_199, %dma_wait3A_200] : memref<512x128xf32, #tpu.memory_space<vmem>> -> memref<128x128xf32, #tpu.memory_space<vmem>>
    %dma_wait3A_202 = arith.constant 256 : i32
    %dma_wait3A_203 = tpu.memref_slice %arg7[%dma_wait3A_202] : memref<512xi32, #tpu.memory_space<vmem>> -> memref<128xi32, #tpu.memory_space<vmem>>
    %dma_wait3A_204 = arith.constant 0 : i32
    %dma_wait3A_205 = arith.constant 0 : i32
    %dma_wait3A_206 = tpu.memref_slice %arg4[%dma_wait3A_204, %dma_wait3A_205] : memref<100000x128xf32, #tpu.memory_space<hbm>> -> memref<100000x128xf32, #tpu.memory_space<hbm>>
    %dma_wait3A_207 = tpu.memref_slice %arg11[%dma_wait3A_198] : memref<4x!tpu.dma_semaphore, #tpu.memory_space<semaphore_mem>> -> memref<1x!tpu.dma_semaphore, #tpu.memory_space<semaphore_mem>>
    %dma_wait3A_208 = tpu.memref_squeeze %dma_wait3A_207 : memref<1x!tpu.dma_semaphore, #tpu.memory_space<semaphore_mem>> -> memref<!tpu.dma_semaphore, #tpu.memory_space<semaphore_mem>>
    tpu.wait_indirect_dma semaphore(%dma_wait3A_208 : memref<!tpu.dma_semaphore, #tpu.memory_space<semaphore_mem>>) src(%dma_wait3A_206 : memref<100000x128xf32, #tpu.memory_space<hbm>>) dst(%dma_wait3A_201 : memref<128x128xf32, #tpu.memory_space<vmem>>)
    %dma_wait3A_209 = arith.constant 1 : i32
    %dma_wait3A_210 = arith.constant 128 : i32
    %dma_wait3A_211 = arith.constant 0 : i32
    %dma_wait3A_212 = tpu.memref_slice %arg9[%dma_wait3A_210, %dma_wait3A_211] : memref<512x128xf32, #tpu.memory_space<vmem>> -> memref<128x128xf32, #tpu.memory_space<vmem>>
    %dma_wait3A_213 = arith.constant 256 : i32
    %dma_wait3A_214 = tpu.memref_slice %arg8[%dma_wait3A_213] : memref<512xi32, #tpu.memory_space<vmem>> -> memref<128xi32, #tpu.memory_space<vmem>>
    %dma_wait3A_215 = arith.constant 0 : i32
    %dma_wait3A_216 = arith.constant 0 : i32
    %dma_wait3A_217 = tpu.memref_slice %arg5[%dma_wait3A_215, %dma_wait3A_216] : memref<100000x128xf32, #tpu.memory_space<hbm>> -> memref<100000x128xf32, #tpu.memory_space<hbm>>
    %dma_wait3A_218 = tpu.memref_slice %arg11[%dma_wait3A_209] : memref<4x!tpu.dma_semaphore, #tpu.memory_space<semaphore_mem>> -> memref<1x!tpu.dma_semaphore, #tpu.memory_space<semaphore_mem>>
    %dma_wait3A_219 = tpu.memref_squeeze %dma_wait3A_218 : memref<1x!tpu.dma_semaphore, #tpu.memory_space<semaphore_mem>> -> memref<!tpu.dma_semaphore, #tpu.memory_space<semaphore_mem>>
    tpu.wait_indirect_dma semaphore(%dma_wait3A_219 : memref<!tpu.dma_semaphore, #tpu.memory_space<semaphore_mem>>) src(%dma_wait3A_217 : memref<100000x128xf32, #tpu.memory_space<hbm>>) dst(%dma_wait3A_212 : memref<128x128xf32, #tpu.memory_space<vmem>>)
    %dma_wait3A_220 = arith.constant 0 : i32
    %dma_wait3A_221 = arith.constant 0 : i32
    %dma_wait3A_222 = arith.constant 0 : i32
    %dma_wait3A_223 = tpu.memref_slice %arg10[%dma_wait3A_221, %dma_wait3A_222] : memref<256x128xi32, #tpu.memory_space<vmem>> -> memref<128x128xi32, #tpu.memory_space<vmem>>
    %dma_wait3A_224 = arith.constant 0 : i32
    %dma_wait3A_225 = tpu.memref_slice %arg6[%add3A_95, %dma_wait3A_224] : memref<16384x128xi32, #tpu.memory_space<hbm>> -> memref<128x128xi32, #tpu.memory_space<hbm>>
    %dma_wait3A_226 = tpu.memref_slice %arg12[%dma_wait3A_220] : memref<2x!tpu.dma_semaphore, #tpu.memory_space<semaphore_mem>> -> memref<1x!tpu.dma_semaphore, #tpu.memory_space<semaphore_mem>>
    %dma_wait3A_227 = tpu.memref_squeeze %dma_wait3A_226 : memref<1x!tpu.dma_semaphore, #tpu.memory_space<semaphore_mem>> -> memref<!tpu.dma_semaphore, #tpu.memory_space<semaphore_mem>>
    %dma_wait3A_228 = arith.constant 0 : i32
    %dma_wait3A_229 = tpu.memref_slice %arg6[%add3A_95, %dma_wait3A_228] : memref<16384x128xi32, #tpu.memory_space<hbm>> -> memref<128x128xi32, #tpu.memory_space<hbm>>
    %dma_wait3A_230 = arith.constant 0 : i32
    %dma_wait3A_231 = arith.constant 0 : i32
    %dma_wait3A_232 = tpu.memref_slice %arg10[%dma_wait3A_230, %dma_wait3A_231] : memref<256x128xi32, #tpu.memory_space<vmem>> -> memref<128x128xi32, #tpu.memory_space<vmem>>
    tpu.wait_dma2 semaphore(%dma_wait3A_227 : memref<!tpu.dma_semaphore, #tpu.memory_space<semaphore_mem>>) src(%dma_wait3A_232 : memref<128x128xi32, #tpu.memory_space<vmem>>) dst(%dma_wait3A_229 : memref<128x128xi32, #tpu.memory_space<hbm>>)
    %scan3A_233 = arith.constant 0 : i32
    %scan3A_234 = arith.constant 32768 : i32
    %scan3A_235 = arith.constant -65536 : i32
    %scan3A_236 = arith.constant 0 : i32
    %scan3A_237 = arith.constant 128 : i32
    %scan3A_238 = arith.addi %scan3A_236, %scan3A_237 : i32
    %scan3A_239 = arith.constant 1 : i32
    scf.for %scan3A_340 = %scan3A_236 to %scan3A_238 step %scan3A_239  : i32 {
      %add3A_341 = arith.constant 0 : i32
      %add3A_342 = arith.addi %add3A_341, %scan3A_340 : i32
      %add3A_343 = arith.constant 0 : i32
      %add3A_344 = arith.addi %add3A_343, %scan3A_340 : i32
      %get3A = arith.index_cast %add3A_344 : i32 to index
      %get3A_345 = arith.constant 0 : index
      %get3A_346 = tpu.vector_load %arg9[%get3A, %get3A_345] {strides = array<i32>} : memref<512x128xf32, #tpu.memory_space<vmem>>, vector<1x16xf32>,
      %get3A_347 = vector.shape_cast %get3A_346 : vector<1x16xf32> to vector<16xf32>
      %bitcast_convert_type3A = tpu.bitcast %get3A_347 : vector<16xf32> -> vector<16xi32>
      %get3A_348 = arith.index_cast %add3A_344 : i32 to index
      %get3A_349 = arith.constant 16 : index
      %get3A_350 = tpu.vector_load %arg9[%get3A_348, %get3A_349] {strides = array<i32>} : memref<512x128xf32, #tpu.memory_space<vmem>>, vector<1x16xf32>,
      %get3A_351 = vector.shape_cast %get3A_350 : vector<1x16xf32> to vector<16xf32>
      %bitcast_convert_type3A_352 = tpu.bitcast %get3A_351 : vector<16xf32> -> vector<16xi32>
      %add3A_353 = vector.broadcast %scan3A_234 : i32 to vector<16xi32>
      %add3A_354 = arith.addi %bitcast_convert_type3A, %add3A_353 : vector<16xi32>
      %shift_right_logical3A = arith.constant 16 : i32
      %shift_right_logical3A_355 = vector.broadcast %shift_right_logical3A : i32 to vector<16xi32>
      %shift_right_logical3A_356 = arith.shrui %add3A_354, %shift_right_logical3A_355 : vector<16xi32>
      %add3A_357 = vector.broadcast %scan3A_234 : i32 to vector<16xi32>
      %add3A_358 = arith.addi %bitcast_convert_type3A_352, %add3A_357 : vector<16xi32>
      %and3A = vector.broadcast %scan3A_235 : i32 to vector<16xi32>
      %and3A_359 = arith.andi %add3A_358, %and3A : vector<16xi32>
      %or3A = arith.ori %shift_right_logical3A_356, %and3A_359 : vector<16xi32>
      %swap3A = arith.index_cast %add3A_342 : i32 to index
      %swap3A_360 = arith.constant 0 : index
      %swap3A_361 = tpu.vector_load %arg10[%swap3A, %swap3A_360] {strides = array<i32>} : memref<256x128xi32, #tpu.memory_space<vmem>>, vector<1x16xi32>,
      %swap3A_362 = vector.shape_cast %swap3A_361 : vector<1x16xi32> to vector<16xi32>
      %swap3A_363 = vector.shape_cast %or3A : vector<16xi32> to vector<1x16xi32>
      tpu.vector_store %arg10[%swap3A, %swap3A_360], %swap3A_363 {strides = array<i32>} : memref<256x128xi32, #tpu.memory_space<vmem>>, vector<1x16xi32>,
      %get3A_364 = arith.index_cast %add3A_344 : i32 to index
      %get3A_365 = arith.constant 32 : index
      %get3A_366 = tpu.vector_load %arg9[%get3A_364, %get3A_365] {strides = array<i32>} : memref<512x128xf32, #tpu.memory_space<vmem>>, vector<1x16xf32>,
      %get3A_367 = vector.shape_cast %get3A_366 : vector<1x16xf32> to vector<16xf32>
      %bitcast_convert_type3A_368 = tpu.bitcast %get3A_367 : vector<16xf32> -> vector<16xi32>
      %get3A_369 = arith.index_cast %add3A_344 : i32 to index
      %get3A_370 = arith.constant 48 : index
      %get3A_371 = tpu.vector_load %arg9[%get3A_369, %get3A_370] {strides = array<i32>} : memref<512x128xf32, #tpu.memory_space<vmem>>, vector<1x16xf32>,
      %get3A_372 = vector.shape_cast %get3A_371 : vector<1x16xf32> to vector<16xf32>
      %bitcast_convert_type3A_373 = tpu.bitcast %get3A_372 : vector<16xf32> -> vector<16xi32>
      %add3A_374 = vector.broadcast %scan3A_234 : i32 to vector<16xi32>
      %add3A_375 = arith.addi %bitcast_convert_type3A_368, %add3A_374 : vector<16xi32>
      %shift_right_logical3A_376 = arith.constant 16 : i32
      %shift_right_logical3A_377 = vector.broadcast %shift_right_logical3A_376 : i32 to vector<16xi32>
      %shift_right_logical3A_378 = arith.shrui %add3A_375, %shift_right_logical3A_377 : vector<16xi32>
      %add3A_379 = vector.broadcast %scan3A_234 : i32 to vector<16xi32>
      %add3A_380 = arith.addi %bitcast_convert_type3A_373, %add3A_379 : vector<16xi32>
      %and3A_381 = vector.broadcast %scan3A_235 : i32 to vector<16xi32>
      %and3A_382 = arith.andi %add3A_380, %and3A_381 : vector<16xi32>
      %or3A_383 = arith.ori %shift_right_logical3A_378, %and3A_382 : vector<16xi32>
      %swap3A_384 = arith.index_cast %add3A_342 : i32 to index
      %swap3A_385 = arith.constant 16 : index
      %swap3A_386 = tpu.vector_load %arg10[%swap3A_384, %swap3A_385] {strides = array<i32>} : memref<256x128xi32, #tpu.memory_space<vmem>>, vector<1x16xi32>,
      %swap3A_387 = vector.shape_cast %swap3A_386 : vector<1x16xi32> to vector<16xi32>
      %swap3A_388 = vector.shape_cast %or3A_383 : vector<16xi32> to vector<1x16xi32>
      tpu.vector_store %arg10[%swap3A_384, %swap3A_385], %swap3A_388 {strides = array<i32>} : memref<256x128xi32, #tpu.memory_space<vmem>>, vector<1x16xi32>,
      %get3A_389 = arith.index_cast %add3A_344 : i32 to index
      %get3A_390 = arith.constant 64 : index
      %get3A_391 = tpu.vector_load %arg9[%get3A_389, %get3A_390] {strides = array<i32>} : memref<512x128xf32, #tpu.memory_space<vmem>>, vector<1x16xf32>,
      %get3A_392 = vector.shape_cast %get3A_391 : vector<1x16xf32> to vector<16xf32>
      %bitcast_convert_type3A_393 = tpu.bitcast %get3A_392 : vector<16xf32> -> vector<16xi32>
      %get3A_394 = arith.index_cast %add3A_344 : i32 to index
      %get3A_395 = arith.constant 80 : index
      %get3A_396 = tpu.vector_load %arg9[%get3A_394, %get3A_395] {strides = array<i32>} : memref<512x128xf32, #tpu.memory_space<vmem>>, vector<1x16xf32>,
      %get3A_397 = vector.shape_cast %get3A_396 : vector<1x16xf32> to vector<16xf32>
      %bitcast_convert_type3A_398 = tpu.bitcast %get3A_397 : vector<16xf32> -> vector<16xi32>
      %add3A_399 = vector.broadcast %scan3A_234 : i32 to vector<16xi32>
      %add3A_400 = arith.addi %bitcast_convert_type3A_393, %add3A_399 : vector<16xi32>
      %shift_right_logical3A_401 = arith.constant 16 : i32
      %shift_right_logical3A_402 = vector.broadcast %shift_right_logical3A_401 : i32 to vector<16xi32>
      %shift_right_logical3A_403 = arith.shrui %add3A_400, %shift_right_logical3A_402 : vector<16xi32>
      %add3A_404 = vector.broadcast %scan3A_234 : i32 to vector<16xi32>
      %add3A_405 = arith.addi %bitcast_convert_type3A_398, %add3A_404 : vector<16xi32>
      %and3A_406 = vector.broadcast %scan3A_235 : i32 to vector<16xi32>
      %and3A_407 = arith.andi %add3A_405, %and3A_406 : vector<16xi32>
      %or3A_408 = arith.ori %shift_right_logical3A_403, %and3A_407 : vector<16xi32>
      %swap3A_409 = arith.index_cast %add3A_342 : i32 to index
      %swap3A_410 = arith.constant 32 : index
      %swap3A_411 = tpu.vector_load %arg10[%swap3A_409, %swap3A_410] {strides = array<i32>} : memref<256x128xi32, #tpu.memory_space<vmem>>, vector<1x16xi32>,
      %swap3A_412 = vector.shape_cast %swap3A_411 : vector<1x16xi32> to vector<16xi32>
      %swap3A_413 = vector.shape_cast %or3A_408 : vector<16xi32> to vector<1x16xi32>
      tpu.vector_store %arg10[%swap3A_409, %swap3A_410], %swap3A_413 {strides = array<i32>} : memref<256x128xi32, #tpu.memory_space<vmem>>, vector<1x16xi32>,
      %get3A_414 = arith.index_cast %add3A_344 : i32 to index
      %get3A_415 = arith.constant 96 : index
      %get3A_416 = tpu.vector_load %arg9[%get3A_414, %get3A_415] {strides = array<i32>} : memref<512x128xf32, #tpu.memory_space<vmem>>, vector<1x16xf32>,
      %get3A_417 = vector.shape_cast %get3A_416 : vector<1x16xf32> to vector<16xf32>
      %bitcast_convert_type3A_418 = tpu.bitcast %get3A_417 : vector<16xf32> -> vector<16xi32>
      %get3A_419 = arith.index_cast %add3A_344 : i32 to index
      %get3A_420 = arith.constant 112 : index
      %get3A_421 = tpu.vector_load %arg9[%get3A_419, %get3A_420] {strides = array<i32>} : memref<512x128xf32, #tpu.memory_space<vmem>>, vector<1x16xf32>,
      %get3A_422 = vector.shape_cast %get3A_421 : vector<1x16xf32> to vector<16xf32>
      %bitcast_convert_type3A_423 = tpu.bitcast %get3A_422 : vector<16xf32> -> vector<16xi32>
      %add3A_424 = vector.broadcast %scan3A_234 : i32 to vector<16xi32>
      %add3A_425 = arith.addi %bitcast_convert_type3A_418, %add3A_424 : vector<16xi32>
      %shift_right_logical3A_426 = arith.constant 16 : i32
      %shift_right_logical3A_427 = vector.broadcast %shift_right_logical3A_426 : i32 to vector<16xi32>
      %shift_right_logical3A_428 = arith.shrui %add3A_425, %shift_right_logical3A_427 : vector<16xi32>
      %add3A_429 = vector.broadcast %scan3A_234 : i32 to vector<16xi32>
      %add3A_430 = arith.addi %bitcast_convert_type3A_423, %add3A_429 : vector<16xi32>
      %and3A_431 = vector.broadcast %scan3A_235 : i32 to vector<16xi32>
      %and3A_432 = arith.andi %add3A_430, %and3A_431 : vector<16xi32>
      %or3A_433 = arith.ori %shift_right_logical3A_428, %and3A_432 : vector<16xi32>
      %swap3A_434 = arith.index_cast %add3A_342 : i32 to index
      %swap3A_435 = arith.constant 48 : index
      %swap3A_436 = tpu.vector_load %arg10[%swap3A_434, %swap3A_435] {strides = array<i32>} : memref<256x128xi32, #tpu.memory_space<vmem>>, vector<1x16xi32>,
      %swap3A_437 = vector.shape_cast %swap3A_436 : vector<1x16xi32> to vector<16xi32>
      %swap3A_438 = vector.shape_cast %or3A_433 : vector<16xi32> to vector<1x16xi32>
      tpu.vector_store %arg10[%swap3A_434, %swap3A_435], %swap3A_438 {strides = array<i32>} : memref<256x128xi32, #tpu.memory_space<vmem>>, vector<1x16xi32>,
      %add3A_439 = arith.constant 128 : i32
      %add3A_440 = arith.addi %add3A_439, %scan3A_340 : i32
      %get3A_441 = arith.index_cast %add3A_440 : i32 to index
      %get3A_442 = arith.constant 0 : index
      %get3A_443 = tpu.vector_load %arg9[%get3A_441, %get3A_442] {strides = array<i32>} : memref<512x128xf32, #tpu.memory_space<vmem>>, vector<1x16xf32>,
      %get3A_444 = vector.shape_cast %get3A_443 : vector<1x16xf32> to vector<16xf32>
      %bitcast_convert_type3A_445 = tpu.bitcast %get3A_444 : vector<16xf32> -> vector<16xi32>
      %get3A_446 = arith.index_cast %add3A_440 : i32 to index
      %get3A_447 = arith.constant 16 : index
      %get3A_448 = tpu.vector_load %arg9[%get3A_446, %get3A_447] {strides = array<i32>} : memref<512x128xf32, #tpu.memory_space<vmem>>, vector<1x16xf32>,
      %get3A_449 = vector.shape_cast %get3A_448 : vector<1x16xf32> to vector<16xf32>
      %bitcast_convert_type3A_450 = tpu.bitcast %get3A_449 : vector<16xf32> -> vector<16xi32>
      %add3A_451 = vector.broadcast %scan3A_234 : i32 to vector<16xi32>
      %add3A_452 = arith.addi %bitcast_convert_type3A_445, %add3A_451 : vector<16xi32>
      %shift_right_logical3A_453 = arith.constant 16 : i32
      %shift_right_logical3A_454 = vector.broadcast %shift_right_logical3A_453 : i32 to vector<16xi32>
      %shift_right_logical3A_455 = arith.shrui %add3A_452, %shift_right_logical3A_454 : vector<16xi32>
      %add3A_456 = vector.broadcast %scan3A_234 : i32 to vector<16xi32>
      %add3A_457 = arith.addi %bitcast_convert_type3A_450, %add3A_456 : vector<16xi32>
      %and3A_458 = vector.broadcast %scan3A_235 : i32 to vector<16xi32>
      %and3A_459 = arith.andi %add3A_457, %and3A_458 : vector<16xi32>
      %or3A_460 = arith.ori %shift_right_logical3A_455, %and3A_459 : vector<16xi32>
      %swap3A_461 = arith.index_cast %add3A_342 : i32 to index
      %swap3A_462 = arith.constant 64 : index
      %swap3A_463 = tpu.vector_load %arg10[%swap3A_461, %swap3A_462] {strides = array<i32>} : memref<256x128xi32, #tpu.memory_space<vmem>>, vector<1x16xi32>,
      %swap3A_464 = vector.shape_cast %swap3A_463 : vector<1x16xi32> to vector<16xi32>
      %swap3A_465 = vector.shape_cast %or3A_460 : vector<16xi32> to vector<1x16xi32>
      tpu.vector_store %arg10[%swap3A_461, %swap3A_462], %swap3A_465 {strides = array<i32>} : memref<256x128xi32, #tpu.memory_space<vmem>>, vector<1x16xi32>,
      %get3A_466 = arith.index_cast %add3A_440 : i32 to index
      %get3A_467 = arith.constant 32 : index
      %get3A_468 = tpu.vector_load %arg9[%get3A_466, %get3A_467] {strides = array<i32>} : memref<512x128xf32, #tpu.memory_space<vmem>>, vector<1x16xf32>,
      %get3A_469 = vector.shape_cast %get3A_468 : vector<1x16xf32> to vector<16xf32>
      %bitcast_convert_type3A_470 = tpu.bitcast %get3A_469 : vector<16xf32> -> vector<16xi32>
      %get3A_471 = arith.index_cast %add3A_440 : i32 to index
      %get3A_472 = arith.constant 48 : index
      %get3A_473 = tpu.vector_load %arg9[%get3A_471, %get3A_472] {strides = array<i32>} : memref<512x128xf32, #tpu.memory_space<vmem>>, vector<1x16xf32>,
      %get3A_474 = vector.shape_cast %get3A_473 : vector<1x16xf32> to vector<16xf32>
      %bitcast_convert_type3A_475 = tpu.bitcast %get3A_474 : vector<16xf32> -> vector<16xi32>
      %add3A_476 = vector.broadcast %scan3A_234 : i32 to vector<16xi32>
      %add3A_477 = arith.addi %bitcast_convert_type3A_470, %add3A_476 : vector<16xi32>
      %shift_right_logical3A_478 = arith.constant 16 : i32
      %shift_right_logical3A_479 = vector.broadcast %shift_right_logical3A_478 : i32 to vector<16xi32>
      %shift_right_logical3A_480 = arith.shrui %add3A_477, %shift_right_logical3A_479 : vector<16xi32>
      %add3A_481 = vector.broadcast %scan3A_234 : i32 to vector<16xi32>
      %add3A_482 = arith.addi %bitcast_convert_type3A_475, %add3A_481 : vector<16xi32>
      %and3A_483 = vector.broadcast %scan3A_235 : i32 to vector<16xi32>
      %and3A_484 = arith.andi %add3A_482, %and3A_483 : vector<16xi32>
      %or3A_485 = arith.ori %shift_right_logical3A_480, %and3A_484 : vector<16xi32>
      %swap3A_486 = arith.index_cast %add3A_342 : i32 to index
      %swap3A_487 = arith.constant 80 : index
      %swap3A_488 = tpu.vector_load %arg10[%swap3A_486, %swap3A_487] {strides = array<i32>} : memref<256x128xi32, #tpu.memory_space<vmem>>, vector<1x16xi32>,
      %swap3A_489 = vector.shape_cast %swap3A_488 : vector<1x16xi32> to vector<16xi32>
      %swap3A_490 = vector.shape_cast %or3A_485 : vector<16xi32> to vector<1x16xi32>
      tpu.vector_store %arg10[%swap3A_486, %swap3A_487], %swap3A_490 {strides = array<i32>} : memref<256x128xi32, #tpu.memory_space<vmem>>, vector<1x16xi32>,
      %get3A_491 = arith.index_cast %add3A_440 : i32 to index
      %get3A_492 = arith.constant 64 : index
      %get3A_493 = tpu.vector_load %arg9[%get3A_491, %get3A_492] {strides = array<i32>} : memref<512x128xf32, #tpu.memory_space<vmem>>, vector<1x16xf32>,
      %get3A_494 = vector.shape_cast %get3A_493 : vector<1x16xf32> to vector<16xf32>
      %bitcast_convert_type3A_495 = tpu.bitcast %get3A_494 : vector<16xf32> -> vector<16xi32>
      %get3A_496 = arith.index_cast %add3A_440 : i32 to index
      %get3A_497 = arith.constant 80 : index
      %get3A_498 = tpu.vector_load %arg9[%get3A_496, %get3A_497] {strides = array<i32>} : memref<512x128xf32, #tpu.memory_space<vmem>>, vector<1x16xf32>,
      %get3A_499 = vector.shape_cast %get3A_498 : vector<1x16xf32> to vector<16xf32>
      %bitcast_convert_type3A_500 = tpu.bitcast %get3A_499 : vector<16xf32> -> vector<16xi32>
      %add3A_501 = vector.broadcast %scan3A_234 : i32 to vector<16xi32>
      %add3A_502 = arith.addi %bitcast_convert_type3A_495, %add3A_501 : vector<16xi32>
      %shift_right_logical3A_503 = arith.constant 16 : i32
      %shift_right_logical3A_504 = vector.broadcast %shift_right_logical3A_503 : i32 to vector<16xi32>
      %shift_right_logical3A_505 = arith.shrui %add3A_502, %shift_right_logical3A_504 : vector<16xi32>
      %add3A_506 = vector.broadcast %scan3A_234 : i32 to vector<16xi32>
      %add3A_507 = arith.addi %bitcast_convert_type3A_500, %add3A_506 : vector<16xi32>
      %and3A_508 = vector.broadcast %scan3A_235 : i32 to vector<16xi32>
      %and3A_509 = arith.andi %add3A_507, %and3A_508 : vector<16xi32>
      %or3A_510 = arith.ori %shift_right_logical3A_505, %and3A_509 : vector<16xi32>
      %swap3A_511 = arith.index_cast %add3A_342 : i32 to index
      %swap3A_512 = arith.constant 96 : index
      %swap3A_513 = tpu.vector_load %arg10[%swap3A_511, %swap3A_512] {strides = array<i32>} : memref<256x128xi32, #tpu.memory_space<vmem>>, vector<1x16xi32>,
      %swap3A_514 = vector.shape_cast %swap3A_513 : vector<1x16xi32> to vector<16xi32>
      %swap3A_515 = vector.shape_cast %or3A_510 : vector<16xi32> to vector<1x16xi32>
      tpu.vector_store %arg10[%swap3A_511, %swap3A_512], %swap3A_515 {strides = array<i32>} : memref<256x128xi32, #tpu.memory_space<vmem>>, vector<1x16xi32>,
      %get3A_516 = arith.index_cast %add3A_440 : i32 to index
      %get3A_517 = arith.constant 96 : index
      %get3A_518 = tpu.vector_load %arg9[%get3A_516, %get3A_517] {strides = array<i32>} : memref<512x128xf32, #tpu.memory_space<vmem>>, vector<1x16xf32>,
      %get3A_519 = vector.shape_cast %get3A_518 : vector<1x16xf32> to vector<16xf32>
      %bitcast_convert_type3A_520 = tpu.bitcast %get3A_519 : vector<16xf32> -> vector<16xi32>
      %get3A_521 = arith.index_cast %add3A_440 : i32 to index
      %get3A_522 = arith.constant 112 : index
      %get3A_523 = tpu.vector_load %arg9[%get3A_521, %get3A_522] {strides = array<i32>} : memref<512x128xf32, #tpu.memory_space<vmem>>, vector<1x16xf32>,
      %get3A_524 = vector.shape_cast %get3A_523 : vector<1x16xf32> to vector<16xf32>
      %bitcast_convert_type3A_525 = tpu.bitcast %get3A_524 : vector<16xf32> -> vector<16xi32>
      %add3A_526 = vector.broadcast %scan3A_234 : i32 to vector<16xi32>
      %add3A_527 = arith.addi %bitcast_convert_type3A_520, %add3A_526 : vector<16xi32>
      %shift_right_logical3A_528 = arith.constant 16 : i32
      %shift_right_logical3A_529 = vector.broadcast %shift_right_logical3A_528 : i32 to vector<16xi32>
      %shift_right_logical3A_530 = arith.shrui %add3A_527, %shift_right_logical3A_529 : vector<16xi32>
      %add3A_531 = vector.broadcast %scan3A_234 : i32 to vector<16xi32>
      %add3A_532 = arith.addi %bitcast_convert_type3A_525, %add3A_531 : vector<16xi32>
      %and3A_533 = vector.broadcast %scan3A_235 : i32 to vector<16xi32>
      %and3A_534 = arith.andi %add3A_532, %and3A_533 : vector<16xi32>
      %or3A_535 = arith.ori %shift_right_logical3A_530, %and3A_534 : vector<16xi32>
      %swap3A_536 = arith.index_cast %add3A_342 : i32 to index
      %swap3A_537 = arith.constant 112 : index
      %swap3A_538 = tpu.vector_load %arg10[%swap3A_536, %swap3A_537] {strides = array<i32>} : memref<256x128xi32, #tpu.memory_space<vmem>>, vector<1x16xi32>,
      %swap3A_539 = vector.shape_cast %swap3A_538 : vector<1x16xi32> to vector<16xi32>
      %swap3A_540 = vector.shape_cast %or3A_535 : vector<16xi32> to vector<1x16xi32>
      tpu.vector_store %arg10[%swap3A_536, %swap3A_537], %swap3A_540 {strides = array<i32>} : memref<256x128xi32, #tpu.memory_space<vmem>>, vector<1x16xi32>,
    }
    %scan3A_240 = arith.constant 128 : i32
    %add3A_241 = arith.constant 256 : i32
    %add3A_242 = arith.addi %mul3A_2, %add3A_241 : i32
    %dma_start3A_243 = arith.constant 0 : i32
    %dma_start3A_244 = arith.constant 0 : i32
    %dma_start3A_245 = arith.constant 0 : i32
    %dma_start3A_246 = tpu.memref_slice %arg10[%dma_start3A_244, %dma_start3A_245] : memref<256x128xi32, #tpu.memory_space<vmem>> -> memref<128x128xi32, #tpu.memory_space<vmem>>
    %dma_start3A_247 = arith.constant 0 : i32
    %dma_start3A_248 = tpu.memref_slice %arg6[%add3A_242, %dma_start3A_247] : memref<16384x128xi32, #tpu.memory_space<hbm>> -> memref<128x128xi32, #tpu.memory_space<hbm>>
    %dma_start3A_249 = tpu.memref_slice %arg12[%dma_start3A_243] : memref<2x!tpu.dma_semaphore, #tpu.memory_space<semaphore_mem>> -> memref<1x!tpu.dma_semaphore, #tpu.memory_space<semaphore_mem>>
    %dma_start3A_250 = tpu.memref_squeeze %dma_start3A_249 : memref<1x!tpu.dma_semaphore, #tpu.memory_space<semaphore_mem>> -> memref<!tpu.dma_semaphore, #tpu.memory_space<semaphore_mem>>
    %dma_start3A_251 = arith.constant 0 : i32
    %dma_start3A_252 = tpu.memref_slice %arg6[%add3A_242, %dma_start3A_251] : memref<16384x128xi32, #tpu.memory_space<hbm>> -> memref<128x128xi32, #tpu.memory_space<hbm>>
    %dma_start3A_253 = arith.constant 0 : i32
    %dma_start3A_254 = arith.constant 0 : i32
    %dma_start3A_255 = tpu.memref_slice %arg10[%dma_start3A_253, %dma_start3A_254] : memref<256x128xi32, #tpu.memory_space<vmem>> -> memref<128x128xi32, #tpu.memory_space<vmem>>
    tpu.enqueue_dma source(%dma_start3A_255 : memref<128x128xi32, #tpu.memory_space<vmem>>) target(%dma_start3A_252 : memref<128x128xi32, #tpu.memory_space<hbm>>) target_semaphore(%dma_start3A_250 : memref<!tpu.dma_semaphore, #tpu.memory_space<semaphore_mem>>)
    %dma_wait3A_256 = arith.constant 2 : i32
    %dma_wait3A_257 = arith.constant 256 : i32
    %dma_wait3A_258 = arith.constant 0 : i32
    %dma_wait3A_259 = tpu.memref_slice %arg9[%dma_wait3A_257, %dma_wait3A_258] : memref<512x128xf32, #tpu.memory_space<vmem>> -> memref<128x128xf32, #tpu.memory_space<vmem>>
    %dma_wait3A_260 = arith.constant 384 : i32
    %dma_wait3A_261 = tpu.memref_slice %arg7[%dma_wait3A_260] : memref<512xi32, #tpu.memory_space<vmem>> -> memref<128xi32, #tpu.memory_space<vmem>>
    %dma_wait3A_262 = arith.constant 0 : i32
    %dma_wait3A_263 = arith.constant 0 : i32
    %dma_wait3A_264 = tpu.memref_slice %arg4[%dma_wait3A_262, %dma_wait3A_263] : memref<100000x128xf32, #tpu.memory_space<hbm>> -> memref<100000x128xf32, #tpu.memory_space<hbm>>
    %dma_wait3A_265 = tpu.memref_slice %arg11[%dma_wait3A_256] : memref<4x!tpu.dma_semaphore, #tpu.memory_space<semaphore_mem>> -> memref<1x!tpu.dma_semaphore, #tpu.memory_space<semaphore_mem>>
    %dma_wait3A_266 = tpu.memref_squeeze %dma_wait3A_265 : memref<1x!tpu.dma_semaphore, #tpu.memory_space<semaphore_mem>> -> memref<!tpu.dma_semaphore, #tpu.memory_space<semaphore_mem>>
    tpu.wait_indirect_dma semaphore(%dma_wait3A_266 : memref<!tpu.dma_semaphore, #tpu.memory_space<semaphore_mem>>) src(%dma_wait3A_264 : memref<100000x128xf32, #tpu.memory_space<hbm>>) dst(%dma_wait3A_259 : memref<128x128xf32, #tpu.memory_space<vmem>>)
    %dma_wait3A_267 = arith.constant 3 : i32
    %dma_wait3A_268 = arith.constant 384 : i32
    %dma_wait3A_269 = arith.constant 0 : i32
    %dma_wait3A_270 = tpu.memref_slice %arg9[%dma_wait3A_268, %dma_wait3A_269] : memref<512x128xf32, #tpu.memory_space<vmem>> -> memref<128x128xf32, #tpu.memory_space<vmem>>
    %dma_wait3A_271 = arith.constant 384 : i32
    %dma_wait3A_272 = tpu.memref_slice %arg8[%dma_wait3A_271] : memref<512xi32, #tpu.memory_space<vmem>> -> memref<128xi32, #tpu.memory_space<vmem>>
    %dma_wait3A_273 = arith.constant 0 : i32
    %dma_wait3A_274 = arith.constant 0 : i32
    %dma_wait3A_275 = tpu.memref_slice %arg5[%dma_wait3A_273, %dma_wait3A_274] : memref<100000x128xf32, #tpu.memory_space<hbm>> -> memref<100000x128xf32, #tpu.memory_space<hbm>>
    %dma_wait3A_276 = tpu.memref_slice %arg11[%dma_wait3A_267] : memref<4x!tpu.dma_semaphore, #tpu.memory_space<semaphore_mem>> -> memref<1x!tpu.dma_semaphore, #tpu.memory_space<semaphore_mem>>
    %dma_wait3A_277 = tpu.memref_squeeze %dma_wait3A_276 : memref<1x!tpu.dma_semaphore, #tpu.memory_space<semaphore_mem>> -> memref<!tpu.dma_semaphore, #tpu.memory_space<semaphore_mem>>
    tpu.wait_indirect_dma semaphore(%dma_wait3A_277 : memref<!tpu.dma_semaphore, #tpu.memory_space<semaphore_mem>>) src(%dma_wait3A_275 : memref<100000x128xf32, #tpu.memory_space<hbm>>) dst(%dma_wait3A_270 : memref<128x128xf32, #tpu.memory_space<vmem>>)
    %dma_wait3A_278 = arith.constant 1 : i32
    %dma_wait3A_279 = arith.constant 128 : i32
    %dma_wait3A_280 = arith.constant 0 : i32
    %dma_wait3A_281 = tpu.memref_slice %arg10[%dma_wait3A_279, %dma_wait3A_280] : memref<256x128xi32, #tpu.memory_space<vmem>> -> memref<128x128xi32, #tpu.memory_space<vmem>>
    %dma_wait3A_282 = arith.constant 0 : i32
    %dma_wait3A_283 = tpu.memref_slice %arg6[%add3A_162, %dma_wait3A_282] : memref<16384x128xi32, #tpu.memory_space<hbm>> -> memref<128x128xi32, #tpu.memory_space<hbm>>
    %dma_wait3A_284 = tpu.memref_slice %arg12[%dma_wait3A_278] : memref<2x!tpu.dma_semaphore, #tpu.memory_space<semaphore_mem>> -> memref<1x!tpu.dma_semaphore, #tpu.memory_space<semaphore_mem>>
    %dma_wait3A_285 = tpu.memref_squeeze %dma_wait3A_284 : memref<1x!tpu.dma_semaphore, #tpu.memory_space<semaphore_mem>> -> memref<!tpu.dma_semaphore, #tpu.memory_space<semaphore_mem>>
    %dma_wait3A_286 = arith.constant 0 : i32
    %dma_wait3A_287 = tpu.memref_slice %arg6[%add3A_162, %dma_wait3A_286] : memref<16384x128xi32, #tpu.memory_space<hbm>> -> memref<128x128xi32, #tpu.memory_space<hbm>>
    %dma_wait3A_288 = arith.constant 128 : i32
    %dma_wait3A_289 = arith.constant 0 : i32
    %dma_wait3A_290 = tpu.memref_slice %arg10[%dma_wait3A_288, %dma_wait3A_289] : memref<256x128xi32, #tpu.memory_space<vmem>> -> memref<128x128xi32, #tpu.memory_space<vmem>>
    tpu.wait_dma2 semaphore(%dma_wait3A_285 : memref<!tpu.dma_semaphore, #tpu.memory_space<semaphore_mem>>) src(%dma_wait3A_290 : memref<128x128xi32, #tpu.memory_space<vmem>>) dst(%dma_wait3A_287 : memref<128x128xi32, #tpu.memory_space<hbm>>)
    %scan3A_291 = arith.constant 0 : i32
    %scan3A_292 = arith.constant 32768 : i32
    %scan3A_293 = arith.constant -65536 : i32
    %scan3A_294 = arith.constant 0 : i32
    %scan3A_295 = arith.constant 128 : i32
    %scan3A_296 = arith.addi %scan3A_294, %scan3A_295 : i32
    %scan3A_297 = arith.constant 1 : i32
    scf.for %scan3A_340 = %scan3A_294 to %scan3A_296 step %scan3A_297  : i32 {
      %add3A_341 = arith.constant 128 : i32
      %add3A_342 = arith.addi %add3A_341, %scan3A_340 : i32
      %add3A_343 = arith.constant 256 : i32
      %add3A_344 = arith.addi %add3A_343, %scan3A_340 : i32
      %get3A = arith.index_cast %add3A_344 : i32 to index
      %get3A_345 = arith.constant 0 : index
      %get3A_346 = tpu.vector_load %arg9[%get3A, %get3A_345] {strides = array<i32>} : memref<512x128xf32, #tpu.memory_space<vmem>>, vector<1x16xf32>,
      %get3A_347 = vector.shape_cast %get3A_346 : vector<1x16xf32> to vector<16xf32>
      %bitcast_convert_type3A = tpu.bitcast %get3A_347 : vector<16xf32> -> vector<16xi32>
      %get3A_348 = arith.index_cast %add3A_344 : i32 to index
      %get3A_349 = arith.constant 16 : index
      %get3A_350 = tpu.vector_load %arg9[%get3A_348, %get3A_349] {strides = array<i32>} : memref<512x128xf32, #tpu.memory_space<vmem>>, vector<1x16xf32>,
      %get3A_351 = vector.shape_cast %get3A_350 : vector<1x16xf32> to vector<16xf32>
      %bitcast_convert_type3A_352 = tpu.bitcast %get3A_351 : vector<16xf32> -> vector<16xi32>
      %add3A_353 = vector.broadcast %scan3A_292 : i32 to vector<16xi32>
      %add3A_354 = arith.addi %bitcast_convert_type3A, %add3A_353 : vector<16xi32>
      %shift_right_logical3A = arith.constant 16 : i32
      %shift_right_logical3A_355 = vector.broadcast %shift_right_logical3A : i32 to vector<16xi32>
      %shift_right_logical3A_356 = arith.shrui %add3A_354, %shift_right_logical3A_355 : vector<16xi32>
      %add3A_357 = vector.broadcast %scan3A_292 : i32 to vector<16xi32>
      %add3A_358 = arith.addi %bitcast_convert_type3A_352, %add3A_357 : vector<16xi32>
      %and3A = vector.broadcast %scan3A_293 : i32 to vector<16xi32>
      %and3A_359 = arith.andi %add3A_358, %and3A : vector<16xi32>
      %or3A = arith.ori %shift_right_logical3A_356, %and3A_359 : vector<16xi32>
      %swap3A = arith.index_cast %add3A_342 : i32 to index
      %swap3A_360 = arith.constant 0 : index
      %swap3A_361 = tpu.vector_load %arg10[%swap3A, %swap3A_360] {strides = array<i32>} : memref<256x128xi32, #tpu.memory_space<vmem>>, vector<1x16xi32>,
      %swap3A_362 = vector.shape_cast %swap3A_361 : vector<1x16xi32> to vector<16xi32>
      %swap3A_363 = vector.shape_cast %or3A : vector<16xi32> to vector<1x16xi32>
      tpu.vector_store %arg10[%swap3A, %swap3A_360], %swap3A_363 {strides = array<i32>} : memref<256x128xi32, #tpu.memory_space<vmem>>, vector<1x16xi32>,
      %get3A_364 = arith.index_cast %add3A_344 : i32 to index
      %get3A_365 = arith.constant 32 : index
      %get3A_366 = tpu.vector_load %arg9[%get3A_364, %get3A_365] {strides = array<i32>} : memref<512x128xf32, #tpu.memory_space<vmem>>, vector<1x16xf32>,
      %get3A_367 = vector.shape_cast %get3A_366 : vector<1x16xf32> to vector<16xf32>
      %bitcast_convert_type3A_368 = tpu.bitcast %get3A_367 : vector<16xf32> -> vector<16xi32>
      %get3A_369 = arith.index_cast %add3A_344 : i32 to index
      %get3A_370 = arith.constant 48 : index
      %get3A_371 = tpu.vector_load %arg9[%get3A_369, %get3A_370] {strides = array<i32>} : memref<512x128xf32, #tpu.memory_space<vmem>>, vector<1x16xf32>,
      %get3A_372 = vector.shape_cast %get3A_371 : vector<1x16xf32> to vector<16xf32>
      %bitcast_convert_type3A_373 = tpu.bitcast %get3A_372 : vector<16xf32> -> vector<16xi32>
      %add3A_374 = vector.broadcast %scan3A_292 : i32 to vector<16xi32>
      %add3A_375 = arith.addi %bitcast_convert_type3A_368, %add3A_374 : vector<16xi32>
      %shift_right_logical3A_376 = arith.constant 16 : i32
      %shift_right_logical3A_377 = vector.broadcast %shift_right_logical3A_376 : i32 to vector<16xi32>
      %shift_right_logical3A_378 = arith.shrui %add3A_375, %shift_right_logical3A_377 : vector<16xi32>
      %add3A_379 = vector.broadcast %scan3A_292 : i32 to vector<16xi32>
      %add3A_380 = arith.addi %bitcast_convert_type3A_373, %add3A_379 : vector<16xi32>
      %and3A_381 = vector.broadcast %scan3A_293 : i32 to vector<16xi32>
      %and3A_382 = arith.andi %add3A_380, %and3A_381 : vector<16xi32>
      %or3A_383 = arith.ori %shift_right_logical3A_378, %and3A_382 : vector<16xi32>
      %swap3A_384 = arith.index_cast %add3A_342 : i32 to index
      %swap3A_385 = arith.constant 16 : index
      %swap3A_386 = tpu.vector_load %arg10[%swap3A_384, %swap3A_385] {strides = array<i32>} : memref<256x128xi32, #tpu.memory_space<vmem>>, vector<1x16xi32>,
      %swap3A_387 = vector.shape_cast %swap3A_386 : vector<1x16xi32> to vector<16xi32>
      %swap3A_388 = vector.shape_cast %or3A_383 : vector<16xi32> to vector<1x16xi32>
      tpu.vector_store %arg10[%swap3A_384, %swap3A_385], %swap3A_388 {strides = array<i32>} : memref<256x128xi32, #tpu.memory_space<vmem>>, vector<1x16xi32>,
      %get3A_389 = arith.index_cast %add3A_344 : i32 to index
      %get3A_390 = arith.constant 64 : index
      %get3A_391 = tpu.vector_load %arg9[%get3A_389, %get3A_390] {strides = array<i32>} : memref<512x128xf32, #tpu.memory_space<vmem>>, vector<1x16xf32>,
      %get3A_392 = vector.shape_cast %get3A_391 : vector<1x16xf32> to vector<16xf32>
      %bitcast_convert_type3A_393 = tpu.bitcast %get3A_392 : vector<16xf32> -> vector<16xi32>
      %get3A_394 = arith.index_cast %add3A_344 : i32 to index
      %get3A_395 = arith.constant 80 : index
      %get3A_396 = tpu.vector_load %arg9[%get3A_394, %get3A_395] {strides = array<i32>} : memref<512x128xf32, #tpu.memory_space<vmem>>, vector<1x16xf32>,
      %get3A_397 = vector.shape_cast %get3A_396 : vector<1x16xf32> to vector<16xf32>
      %bitcast_convert_type3A_398 = tpu.bitcast %get3A_397 : vector<16xf32> -> vector<16xi32>
      %add3A_399 = vector.broadcast %scan3A_292 : i32 to vector<16xi32>
      %add3A_400 = arith.addi %bitcast_convert_type3A_393, %add3A_399 : vector<16xi32>
      %shift_right_logical3A_401 = arith.constant 16 : i32
      %shift_right_logical3A_402 = vector.broadcast %shift_right_logical3A_401 : i32 to vector<16xi32>
      %shift_right_logical3A_403 = arith.shrui %add3A_400, %shift_right_logical3A_402 : vector<16xi32>
      %add3A_404 = vector.broadcast %scan3A_292 : i32 to vector<16xi32>
      %add3A_405 = arith.addi %bitcast_convert_type3A_398, %add3A_404 : vector<16xi32>
      %and3A_406 = vector.broadcast %scan3A_293 : i32 to vector<16xi32>
      %and3A_407 = arith.andi %add3A_405, %and3A_406 : vector<16xi32>
      %or3A_408 = arith.ori %shift_right_logical3A_403, %and3A_407 : vector<16xi32>
      %swap3A_409 = arith.index_cast %add3A_342 : i32 to index
      %swap3A_410 = arith.constant 32 : index
      %swap3A_411 = tpu.vector_load %arg10[%swap3A_409, %swap3A_410] {strides = array<i32>} : memref<256x128xi32, #tpu.memory_space<vmem>>, vector<1x16xi32>,
      %swap3A_412 = vector.shape_cast %swap3A_411 : vector<1x16xi32> to vector<16xi32>
      %swap3A_413 = vector.shape_cast %or3A_408 : vector<16xi32> to vector<1x16xi32>
      tpu.vector_store %arg10[%swap3A_409, %swap3A_410], %swap3A_413 {strides = array<i32>} : memref<256x128xi32, #tpu.memory_space<vmem>>, vector<1x16xi32>,
      %get3A_414 = arith.index_cast %add3A_344 : i32 to index
      %get3A_415 = arith.constant 96 : index
      %get3A_416 = tpu.vector_load %arg9[%get3A_414, %get3A_415] {strides = array<i32>} : memref<512x128xf32, #tpu.memory_space<vmem>>, vector<1x16xf32>,
      %get3A_417 = vector.shape_cast %get3A_416 : vector<1x16xf32> to vector<16xf32>
      %bitcast_convert_type3A_418 = tpu.bitcast %get3A_417 : vector<16xf32> -> vector<16xi32>
      %get3A_419 = arith.index_cast %add3A_344 : i32 to index
      %get3A_420 = arith.constant 112 : index
      %get3A_421 = tpu.vector_load %arg9[%get3A_419, %get3A_420] {strides = array<i32>} : memref<512x128xf32, #tpu.memory_space<vmem>>, vector<1x16xf32>,
      %get3A_422 = vector.shape_cast %get3A_421 : vector<1x16xf32> to vector<16xf32>
      %bitcast_convert_type3A_423 = tpu.bitcast %get3A_422 : vector<16xf32> -> vector<16xi32>
      %add3A_424 = vector.broadcast %scan3A_292 : i32 to vector<16xi32>
      %add3A_425 = arith.addi %bitcast_convert_type3A_418, %add3A_424 : vector<16xi32>
      %shift_right_logical3A_426 = arith.constant 16 : i32
      %shift_right_logical3A_427 = vector.broadcast %shift_right_logical3A_426 : i32 to vector<16xi32>
      %shift_right_logical3A_428 = arith.shrui %add3A_425, %shift_right_logical3A_427 : vector<16xi32>
      %add3A_429 = vector.broadcast %scan3A_292 : i32 to vector<16xi32>
      %add3A_430 = arith.addi %bitcast_convert_type3A_423, %add3A_429 : vector<16xi32>
      %and3A_431 = vector.broadcast %scan3A_293 : i32 to vector<16xi32>
      %and3A_432 = arith.andi %add3A_430, %and3A_431 : vector<16xi32>
      %or3A_433 = arith.ori %shift_right_logical3A_428, %and3A_432 : vector<16xi32>
      %swap3A_434 = arith.index_cast %add3A_342 : i32 to index
      %swap3A_435 = arith.constant 48 : index
      %swap3A_436 = tpu.vector_load %arg10[%swap3A_434, %swap3A_435] {strides = array<i32>} : memref<256x128xi32, #tpu.memory_space<vmem>>, vector<1x16xi32>,
      %swap3A_437 = vector.shape_cast %swap3A_436 : vector<1x16xi32> to vector<16xi32>
      %swap3A_438 = vector.shape_cast %or3A_433 : vector<16xi32> to vector<1x16xi32>
      tpu.vector_store %arg10[%swap3A_434, %swap3A_435], %swap3A_438 {strides = array<i32>} : memref<256x128xi32, #tpu.memory_space<vmem>>, vector<1x16xi32>,
      %add3A_439 = arith.constant 384 : i32
      %add3A_440 = arith.addi %add3A_439, %scan3A_340 : i32
      %get3A_441 = arith.index_cast %add3A_440 : i32 to index
      %get3A_442 = arith.constant 0 : index
      %get3A_443 = tpu.vector_load %arg9[%get3A_441, %get3A_442] {strides = array<i32>} : memref<512x128xf32, #tpu.memory_space<vmem>>, vector<1x16xf32>,
      %get3A_444 = vector.shape_cast %get3A_443 : vector<1x16xf32> to vector<16xf32>
      %bitcast_convert_type3A_445 = tpu.bitcast %get3A_444 : vector<16xf32> -> vector<16xi32>
      %get3A_446 = arith.index_cast %add3A_440 : i32 to index
      %get3A_447 = arith.constant 16 : index
      %get3A_448 = tpu.vector_load %arg9[%get3A_446, %get3A_447] {strides = array<i32>} : memref<512x128xf32, #tpu.memory_space<vmem>>, vector<1x16xf32>,
      %get3A_449 = vector.shape_cast %get3A_448 : vector<1x16xf32> to vector<16xf32>
      %bitcast_convert_type3A_450 = tpu.bitcast %get3A_449 : vector<16xf32> -> vector<16xi32>
      %add3A_451 = vector.broadcast %scan3A_292 : i32 to vector<16xi32>
      %add3A_452 = arith.addi %bitcast_convert_type3A_445, %add3A_451 : vector<16xi32>
      %shift_right_logical3A_453 = arith.constant 16 : i32
      %shift_right_logical3A_454 = vector.broadcast %shift_right_logical3A_453 : i32 to vector<16xi32>
      %shift_right_logical3A_455 = arith.shrui %add3A_452, %shift_right_logical3A_454 : vector<16xi32>
      %add3A_456 = vector.broadcast %scan3A_292 : i32 to vector<16xi32>
      %add3A_457 = arith.addi %bitcast_convert_type3A_450, %add3A_456 : vector<16xi32>
      %and3A_458 = vector.broadcast %scan3A_293 : i32 to vector<16xi32>
      %and3A_459 = arith.andi %add3A_457, %and3A_458 : vector<16xi32>
      %or3A_460 = arith.ori %shift_right_logical3A_455, %and3A_459 : vector<16xi32>
      %swap3A_461 = arith.index_cast %add3A_342 : i32 to index
      %swap3A_462 = arith.constant 64 : index
      %swap3A_463 = tpu.vector_load %arg10[%swap3A_461, %swap3A_462] {strides = array<i32>} : memref<256x128xi32, #tpu.memory_space<vmem>>, vector<1x16xi32>,
      %swap3A_464 = vector.shape_cast %swap3A_463 : vector<1x16xi32> to vector<16xi32>
      %swap3A_465 = vector.shape_cast %or3A_460 : vector<16xi32> to vector<1x16xi32>
      tpu.vector_store %arg10[%swap3A_461, %swap3A_462], %swap3A_465 {strides = array<i32>} : memref<256x128xi32, #tpu.memory_space<vmem>>, vector<1x16xi32>,
      %get3A_466 = arith.index_cast %add3A_440 : i32 to index
      %get3A_467 = arith.constant 32 : index
      %get3A_468 = tpu.vector_load %arg9[%get3A_466, %get3A_467] {strides = array<i32>} : memref<512x128xf32, #tpu.memory_space<vmem>>, vector<1x16xf32>,
      %get3A_469 = vector.shape_cast %get3A_468 : vector<1x16xf32> to vector<16xf32>
      %bitcast_convert_type3A_470 = tpu.bitcast %get3A_469 : vector<16xf32> -> vector<16xi32>
      %get3A_471 = arith.index_cast %add3A_440 : i32 to index
      %get3A_472 = arith.constant 48 : index
      %get3A_473 = tpu.vector_load %arg9[%get3A_471, %get3A_472] {strides = array<i32>} : memref<512x128xf32, #tpu.memory_space<vmem>>, vector<1x16xf32>,
      %get3A_474 = vector.shape_cast %get3A_473 : vector<1x16xf32> to vector<16xf32>
      %bitcast_convert_type3A_475 = tpu.bitcast %get3A_474 : vector<16xf32> -> vector<16xi32>
      %add3A_476 = vector.broadcast %scan3A_292 : i32 to vector<16xi32>
      %add3A_477 = arith.addi %bitcast_convert_type3A_470, %add3A_476 : vector<16xi32>
      %shift_right_logical3A_478 = arith.constant 16 : i32
      %shift_right_logical3A_479 = vector.broadcast %shift_right_logical3A_478 : i32 to vector<16xi32>
      %shift_right_logical3A_480 = arith.shrui %add3A_477, %shift_right_logical3A_479 : vector<16xi32>
      %add3A_481 = vector.broadcast %scan3A_292 : i32 to vector<16xi32>
      %add3A_482 = arith.addi %bitcast_convert_type3A_475, %add3A_481 : vector<16xi32>
      %and3A_483 = vector.broadcast %scan3A_293 : i32 to vector<16xi32>
      %and3A_484 = arith.andi %add3A_482, %and3A_483 : vector<16xi32>
      %or3A_485 = arith.ori %shift_right_logical3A_480, %and3A_484 : vector<16xi32>
      %swap3A_486 = arith.index_cast %add3A_342 : i32 to index
      %swap3A_487 = arith.constant 80 : index
      %swap3A_488 = tpu.vector_load %arg10[%swap3A_486, %swap3A_487] {strides = array<i32>} : memref<256x128xi32, #tpu.memory_space<vmem>>, vector<1x16xi32>,
      %swap3A_489 = vector.shape_cast %swap3A_488 : vector<1x16xi32> to vector<16xi32>
      %swap3A_490 = vector.shape_cast %or3A_485 : vector<16xi32> to vector<1x16xi32>
      tpu.vector_store %arg10[%swap3A_486, %swap3A_487], %swap3A_490 {strides = array<i32>} : memref<256x128xi32, #tpu.memory_space<vmem>>, vector<1x16xi32>,
      %get3A_491 = arith.index_cast %add3A_440 : i32 to index
      %get3A_492 = arith.constant 64 : index
      %get3A_493 = tpu.vector_load %arg9[%get3A_491, %get3A_492] {strides = array<i32>} : memref<512x128xf32, #tpu.memory_space<vmem>>, vector<1x16xf32>,
      %get3A_494 = vector.shape_cast %get3A_493 : vector<1x16xf32> to vector<16xf32>
      %bitcast_convert_type3A_495 = tpu.bitcast %get3A_494 : vector<16xf32> -> vector<16xi32>
      %get3A_496 = arith.index_cast %add3A_440 : i32 to index
      %get3A_497 = arith.constant 80 : index
      %get3A_498 = tpu.vector_load %arg9[%get3A_496, %get3A_497] {strides = array<i32>} : memref<512x128xf32, #tpu.memory_space<vmem>>, vector<1x16xf32>,
      %get3A_499 = vector.shape_cast %get3A_498 : vector<1x16xf32> to vector<16xf32>
      %bitcast_convert_type3A_500 = tpu.bitcast %get3A_499 : vector<16xf32> -> vector<16xi32>
      %add3A_501 = vector.broadcast %scan3A_292 : i32 to vector<16xi32>
      %add3A_502 = arith.addi %bitcast_convert_type3A_495, %add3A_501 : vector<16xi32>
      %shift_right_logical3A_503 = arith.constant 16 : i32
      %shift_right_logical3A_504 = vector.broadcast %shift_right_logical3A_503 : i32 to vector<16xi32>
      %shift_right_logical3A_505 = arith.shrui %add3A_502, %shift_right_logical3A_504 : vector<16xi32>
      %add3A_506 = vector.broadcast %scan3A_292 : i32 to vector<16xi32>
      %add3A_507 = arith.addi %bitcast_convert_type3A_500, %add3A_506 : vector<16xi32>
      %and3A_508 = vector.broadcast %scan3A_293 : i32 to vector<16xi32>
      %and3A_509 = arith.andi %add3A_507, %and3A_508 : vector<16xi32>
      %or3A_510 = arith.ori %shift_right_logical3A_505, %and3A_509 : vector<16xi32>
      %swap3A_511 = arith.index_cast %add3A_342 : i32 to index
      %swap3A_512 = arith.constant 96 : index
      %swap3A_513 = tpu.vector_load %arg10[%swap3A_511, %swap3A_512] {strides = array<i32>} : memref<256x128xi32, #tpu.memory_space<vmem>>, vector<1x16xi32>,
      %swap3A_514 = vector.shape_cast %swap3A_513 : vector<1x16xi32> to vector<16xi32>
      %swap3A_515 = vector.shape_cast %or3A_510 : vector<16xi32> to vector<1x16xi32>
      tpu.vector_store %arg10[%swap3A_511, %swap3A_512], %swap3A_515 {strides = array<i32>} : memref<256x128xi32, #tpu.memory_space<vmem>>, vector<1x16xi32>,
      %get3A_516 = arith.index_cast %add3A_440 : i32 to index
      %get3A_517 = arith.constant 96 : index
      %get3A_518 = tpu.vector_load %arg9[%get3A_516, %get3A_517] {strides = array<i32>} : memref<512x128xf32, #tpu.memory_space<vmem>>, vector<1x16xf32>,
      %get3A_519 = vector.shape_cast %get3A_518 : vector<1x16xf32> to vector<16xf32>
      %bitcast_convert_type3A_520 = tpu.bitcast %get3A_519 : vector<16xf32> -> vector<16xi32>
      %get3A_521 = arith.index_cast %add3A_440 : i32 to index
      %get3A_522 = arith.constant 112 : index
      %get3A_523 = tpu.vector_load %arg9[%get3A_521, %get3A_522] {strides = array<i32>} : memref<512x128xf32, #tpu.memory_space<vmem>>, vector<1x16xf32>,
      %get3A_524 = vector.shape_cast %get3A_523 : vector<1x16xf32> to vector<16xf32>
      %bitcast_convert_type3A_525 = tpu.bitcast %get3A_524 : vector<16xf32> -> vector<16xi32>
      %add3A_526 = vector.broadcast %scan3A_292 : i32 to vector<16xi32>
      %add3A_527 = arith.addi %bitcast_convert_type3A_520, %add3A_526 : vector<16xi32>
      %shift_right_logical3A_528 = arith.constant 16 : i32
      %shift_right_logical3A_529 = vector.broadcast %shift_right_logical3A_528 : i32 to vector<16xi32>
      %shift_right_logical3A_530 = arith.shrui %add3A_527, %shift_right_logical3A_529 : vector<16xi32>
      %add3A_531 = vector.broadcast %scan3A_292 : i32 to vector<16xi32>
      %add3A_532 = arith.addi %bitcast_convert_type3A_525, %add3A_531 : vector<16xi32>
      %and3A_533 = vector.broadcast %scan3A_293 : i32 to vector<16xi32>
      %and3A_534 = arith.andi %add3A_532, %and3A_533 : vector<16xi32>
      %or3A_535 = arith.ori %shift_right_logical3A_530, %and3A_534 : vector<16xi32>
      %swap3A_536 = arith.index_cast %add3A_342 : i32 to index
      %swap3A_537 = arith.constant 112 : index
      %swap3A_538 = tpu.vector_load %arg10[%swap3A_536, %swap3A_537] {strides = array<i32>} : memref<256x128xi32, #tpu.memory_space<vmem>>, vector<1x16xi32>,
      %swap3A_539 = vector.shape_cast %swap3A_538 : vector<1x16xi32> to vector<16xi32>
      %swap3A_540 = vector.shape_cast %or3A_535 : vector<16xi32> to vector<1x16xi32>
      tpu.vector_store %arg10[%swap3A_536, %swap3A_537], %swap3A_540 {strides = array<i32>} : memref<256x128xi32, #tpu.memory_space<vmem>>, vector<1x16xi32>,
    }
    %scan3A_298 = arith.constant 128 : i32
    %add3A_299 = arith.constant 384 : i32
    %add3A_300 = arith.addi %mul3A_2, %add3A_299 : i32
    %dma_start3A_301 = arith.constant 1 : i32
    %dma_start3A_302 = arith.constant 128 : i32
    %dma_start3A_303 = arith.constant 0 : i32
    %dma_start3A_304 = tpu.memref_slice %arg10[%dma_start3A_302, %dma_start3A_303] : memref<256x128xi32, #tpu.memory_space<vmem>> -> memref<128x128xi32, #tpu.memory_space<vmem>>
    %dma_start3A_305 = arith.constant 0 : i32
    %dma_start3A_306 = tpu.memref_slice %arg6[%add3A_300, %dma_start3A_305] : memref<16384x128xi32, #tpu.memory_space<hbm>> -> memref<128x128xi32, #tpu.memory_space<hbm>>
    %dma_start3A_307 = tpu.memref_slice %arg12[%dma_start3A_301] : memref<2x!tpu.dma_semaphore, #tpu.memory_space<semaphore_mem>> -> memref<1x!tpu.dma_semaphore, #tpu.memory_space<semaphore_mem>>
    %dma_start3A_308 = tpu.memref_squeeze %dma_start3A_307 : memref<1x!tpu.dma_semaphore, #tpu.memory_space<semaphore_mem>> -> memref<!tpu.dma_semaphore, #tpu.memory_space<semaphore_mem>>
    %dma_start3A_309 = arith.constant 0 : i32
    %dma_start3A_310 = tpu.memref_slice %arg6[%add3A_300, %dma_start3A_309] : memref<16384x128xi32, #tpu.memory_space<hbm>> -> memref<128x128xi32, #tpu.memory_space<hbm>>
    %dma_start3A_311 = arith.constant 128 : i32
    %dma_start3A_312 = arith.constant 0 : i32
    %dma_start3A_313 = tpu.memref_slice %arg10[%dma_start3A_311, %dma_start3A_312] : memref<256x128xi32, #tpu.memory_space<vmem>> -> memref<128x128xi32, #tpu.memory_space<vmem>>
    tpu.enqueue_dma source(%dma_start3A_313 : memref<128x128xi32, #tpu.memory_space<vmem>>) target(%dma_start3A_310 : memref<128x128xi32, #tpu.memory_space<hbm>>) target_semaphore(%dma_start3A_308 : memref<!tpu.dma_semaphore, #tpu.memory_space<semaphore_mem>>)
    %dma_wait3A_314 = arith.constant 0 : i32
    %dma_wait3A_315 = arith.constant 0 : i32
    %dma_wait3A_316 = arith.constant 0 : i32
    %dma_wait3A_317 = tpu.memref_slice %arg10[%dma_wait3A_315, %dma_wait3A_316] : memref<256x128xi32, #tpu.memory_space<vmem>> -> memref<128x128xi32, #tpu.memory_space<vmem>>
    %dma_wait3A_318 = arith.constant 0 : i32
    %dma_wait3A_319 = tpu.memref_slice %arg6[%add3A_242, %dma_wait3A_318] : memref<16384x128xi32, #tpu.memory_space<hbm>> -> memref<128x128xi32, #tpu.memory_space<hbm>>
    %dma_wait3A_320 = tpu.memref_slice %arg12[%dma_wait3A_314] : memref<2x!tpu.dma_semaphore, #tpu.memory_space<semaphore_mem>> -> memref<1x!tpu.dma_semaphore, #tpu.memory_space<semaphore_mem>>
    %dma_wait3A_321 = tpu.memref_squeeze %dma_wait3A_320 : memref<1x!tpu.dma_semaphore, #tpu.memory_space<semaphore_mem>> -> memref<!tpu.dma_semaphore, #tpu.memory_space<semaphore_mem>>
    %dma_wait3A_322 = arith.constant 0 : i32
    %dma_wait3A_323 = tpu.memref_slice %arg6[%add3A_242, %dma_wait3A_322] : memref<16384x128xi32, #tpu.memory_space<hbm>> -> memref<128x128xi32, #tpu.memory_space<hbm>>
    %dma_wait3A_324 = arith.constant 0 : i32
    %dma_wait3A_325 = arith.constant 0 : i32
    %dma_wait3A_326 = tpu.memref_slice %arg10[%dma_wait3A_324, %dma_wait3A_325] : memref<256x128xi32, #tpu.memory_space<vmem>> -> memref<128x128xi32, #tpu.memory_space<vmem>>
    tpu.wait_dma2 semaphore(%dma_wait3A_321 : memref<!tpu.dma_semaphore, #tpu.memory_space<semaphore_mem>>) src(%dma_wait3A_326 : memref<128x128xi32, #tpu.memory_space<vmem>>) dst(%dma_wait3A_323 : memref<128x128xi32, #tpu.memory_space<hbm>>)
    %dma_wait3A_327 = arith.constant 1 : i32
    %dma_wait3A_328 = arith.constant 128 : i32
    %dma_wait3A_329 = arith.constant 0 : i32
    %dma_wait3A_330 = tpu.memref_slice %arg10[%dma_wait3A_328, %dma_wait3A_329] : memref<256x128xi32, #tpu.memory_space<vmem>> -> memref<128x128xi32, #tpu.memory_space<vmem>>
    %dma_wait3A_331 = arith.constant 0 : i32
    %dma_wait3A_332 = tpu.memref_slice %arg6[%add3A_300, %dma_wait3A_331] : memref<16384x128xi32, #tpu.memory_space<hbm>> -> memref<128x128xi32, #tpu.memory_space<hbm>>
    %dma_wait3A_333 = tpu.memref_slice %arg12[%dma_wait3A_327] : memref<2x!tpu.dma_semaphore, #tpu.memory_space<semaphore_mem>> -> memref<1x!tpu.dma_semaphore, #tpu.memory_space<semaphore_mem>>
    %dma_wait3A_334 = tpu.memref_squeeze %dma_wait3A_333 : memref<1x!tpu.dma_semaphore, #tpu.memory_space<semaphore_mem>> -> memref<!tpu.dma_semaphore, #tpu.memory_space<semaphore_mem>>
    %dma_wait3A_335 = arith.constant 0 : i32
    %dma_wait3A_336 = tpu.memref_slice %arg6[%add3A_300, %dma_wait3A_335] : memref<16384x128xi32, #tpu.memory_space<hbm>> -> memref<128x128xi32, #tpu.memory_space<hbm>>
    %dma_wait3A_337 = arith.constant 128 : i32
    %dma_wait3A_338 = arith.constant 0 : i32
    %dma_wait3A_339 = tpu.memref_slice %arg10[%dma_wait3A_337, %dma_wait3A_338] : memref<256x128xi32, #tpu.memory_space<vmem>> -> memref<128x128xi32, #tpu.memory_space<vmem>>
    tpu.wait_dma2 semaphore(%dma_wait3A_334 : memref<!tpu.dma_semaphore, #tpu.memory_space<semaphore_mem>>) src(%dma_wait3A_339 : memref<128x128xi32, #tpu.memory_space<vmem>>) dst(%dma_wait3A_336 : memref<128x128xi32, #tpu.memory_space<hbm>>)
    return
  }
}

module attributes {stable_mosaic.version = 14 : i64} {
  func.func @_mlp_body(%arg0: i32, %arg1: memref<4096x128xi32, #tpu.memory_space<vmem>>, %arg2: memref<128x128xf32, #tpu.memory_space<vmem>>, %arg3: memref<128x128xf32, #tpu.memory_space<vmem>>, %arg4: memref<1x128xf32, #tpu.memory_space<vmem>>, %arg5: memref<64x128xf32, #tpu.memory_space<vmem>>, %arg6: memref<1x64xf32, #tpu.memory_space<vmem>>, %arg7: memref<1x64xf32, #tpu.memory_space<vmem>>, %arg8: memref<1xf32, #tpu.memory_space<smem>>, %arg9: memref<4096xf32, #tpu.memory_space<vmem>>) attributes {dimension_semantics = [#tpu.dimension_semantics<arbitrary>], iteration_bounds = array<i64: 4>, scalar_prefetch = 0 : i64, scratch_operands = 0 : i64, tpu.core_type = #tpu.core_type<tc>, window_params = [{transform_indices = @transform_0, window_bounds = array<i64: 4096, 128>}, {pipeline_mode = #tpu.pipeline_mode<synchronous>, transform_indices = @transform_1, window_bounds = array<i64: 128, 128>}, {pipeline_mode = #tpu.pipeline_mode<synchronous>, transform_indices = @transform_2, window_bounds = array<i64: 128, 128>}, {pipeline_mode = #tpu.pipeline_mode<synchronous>, transform_indices = @transform_3, window_bounds = array<i64: 1, 128>}, {pipeline_mode = #tpu.pipeline_mode<synchronous>, transform_indices = @transform_4, window_bounds = array<i64: 64, 128>}, {pipeline_mode = #tpu.pipeline_mode<synchronous>, transform_indices = @transform_5, window_bounds = array<i64: 1, 64>}, {pipeline_mode = #tpu.pipeline_mode<synchronous>, transform_indices = @transform_6, window_bounds = array<i64: 1, 64>}, {transform_indices = @transform_7, window_bounds = array<i64: 1>}, {transform_indices = @transform_8, window_bounds = array<i64: 4096>}]} {
    %get3A = arith.constant 0 : index
    %get3A_0 = arith.constant 0 : index
    %get3A_1 = vector.load %arg1[%get3A, %get3A_0] : memref<4096x128xi32, #tpu.memory_space<vmem>>, vector<4096x128xi32>
    %shift_left3A = arith.constant 16 : i32
    %shift_left3A_2 = vector.broadcast %shift_left3A : i32 to vector<4096x128xi32>
    %shift_left3A_3 = arith.shli %get3A_1, %shift_left3A_2 : vector<4096x128xi32>
    %bitcast_convert_type3A = tpu.bitcast %shift_left3A_3 : vector<4096x128xi32> -> vector<4096x128xf32>
    %and3A = arith.constant -65536 : i32
    %and3A_4 = vector.broadcast %and3A : i32 to vector<4096x128xi32>
    %and3A_5 = arith.andi %get3A_1, %and3A_4 : vector<4096x128xi32>
    %bitcast_convert_type3A_6 = tpu.bitcast %and3A_5 : vector<4096x128xi32> -> vector<4096x128xf32>
    %get3A_7 = arith.constant 0 : index
    %get3A_8 = arith.constant 0 : index
    %get3A_9 = vector.load %arg2[%get3A_7, %get3A_8] : memref<128x128xf32, #tpu.memory_space<vmem>>, vector<128x128xf32>
    %dot_general3A = arith.constant dense<0.000000e+00> : vector<4096x128xf32>
    %dot_general3A_10 = tpu.matmul %bitcast_convert_type3A, %get3A_9, %dot_general3A {dimension_numbers = #tpu.dot_dimension_numbers<[1], [1], [0], [0], [0, 0, 1, 0], [], []>, transpose_lhs_hint = false} : vector<4096x128xf32>, vector<128x128xf32>, vector<4096x128xf32> -> vector<4096x128xf32>
    %get3A_11 = arith.constant 0 : index
    %get3A_12 = arith.constant 0 : index
    %get3A_13 = vector.load %arg3[%get3A_11, %get3A_12] : memref<128x128xf32, #tpu.memory_space<vmem>>, vector<128x128xf32>
    %dot_general3A_14 = arith.constant dense<0.000000e+00> : vector<4096x128xf32>
    %dot_general3A_15 = tpu.matmul %bitcast_convert_type3A_6, %get3A_13, %dot_general3A_14 {dimension_numbers = #tpu.dot_dimension_numbers<[1], [1], [0], [0], [0, 0, 1, 0], [], []>, transpose_lhs_hint = false} : vector<4096x128xf32>, vector<128x128xf32>, vector<4096x128xf32> -> vector<4096x128xf32>
    %add3A = arith.addf %dot_general3A_10, %dot_general3A_15 : vector<4096x128xf32>
    %get3A_16 = arith.constant 0 : index
    %get3A_17 = arith.constant 0 : index
    %get3A_18 = vector.load %arg4[%get3A_16, %get3A_17] : memref<1x128xf32, #tpu.memory_space<vmem>>, vector<1x128xf32>
    %add3A_19 = vector.broadcast %get3A_18 : vector<1x128xf32> to vector<4096x128xf32>
    %add3A_20 = arith.addf %add3A, %add3A_19 : vector<4096x128xf32>
    %max3A = arith.constant 0.000000e+00 : f32
    %max3A_21 = vector.broadcast %max3A : f32 to vector<4096x128xf32>
    %max3A_22 = arith.maximumf %add3A_20, %max3A_21 : vector<4096x128xf32>
    %get3A_23 = arith.constant 0 : index
    %get3A_24 = arith.constant 0 : index
    %get3A_25 = vector.load %arg5[%get3A_23, %get3A_24] : memref<64x128xf32, #tpu.memory_space<vmem>>, vector<64x128xf32>
    %dot_general3A_26 = arith.constant dense<0.000000e+00> : vector<4096x64xf32>
    %dot_general3A_27 = tpu.matmul %max3A_22, %get3A_25, %dot_general3A_26 {dimension_numbers = #tpu.dot_dimension_numbers<[1], [1], [0], [0], [0, 0, 1, 0], [], []>, transpose_lhs_hint = false} : vector<4096x128xf32>, vector<64x128xf32>, vector<4096x64xf32> -> vector<4096x64xf32>
    %get3A_28 = arith.constant 0 : index
    %get3A_29 = arith.constant 0 : index
    %get3A_30 = vector.load %arg6[%get3A_28, %get3A_29] : memref<1x64xf32, #tpu.memory_space<vmem>>, vector<1x64xf32>
    %add3A_31 = vector.broadcast %get3A_30 : vector<1x64xf32> to vector<4096x64xf32>
    %add3A_32 = arith.addf %dot_general3A_27, %add3A_31 : vector<4096x64xf32>
    %max3A_33 = arith.constant 0.000000e+00 : f32
    %max3A_34 = vector.broadcast %max3A_33 : f32 to vector<4096x64xf32>
    %max3A_35 = arith.maximumf %add3A_32, %max3A_34 : vector<4096x64xf32>
    %get3A_36 = arith.constant 0 : index
    %get3A_37 = arith.constant 0 : index
    %get3A_38 = vector.load %arg7[%get3A_36, %get3A_37] : memref<1x64xf32, #tpu.memory_space<vmem>>, vector<1x64xf32>
    %dot_general3A_39 = arith.constant dense<0.000000e+00> : vector<1x4096xf32>
    %dot_general3A_40 = tpu.matmul %get3A_38, %max3A_35, %dot_general3A_39 {dimension_numbers = #tpu.dot_dimension_numbers<[1], [1], [0], [0], [0, 0, 1, 0], [], []>, transpose_lhs_hint = false} : vector<1x64xf32>, vector<4096x64xf32>, vector<1x4096xf32> -> vector<1x4096xf32>
    %reshape3A = vector.shape_cast %dot_general3A_40 : vector<1x4096xf32> to vector<4096xf32>
    %get3A_41 = arith.constant 0 : index
    %get3A_42 = memref.load %arg8[%get3A_41] : memref<1xf32, #tpu.memory_space<smem>>
    %add3A_43 = vector.broadcast %get3A_42 : f32 to vector<4096xf32>
    %add3A_44 = arith.addf %reshape3A, %add3A_43 : vector<4096xf32>
    %swap3A = arith.constant 0 : index
    %swap3A_45 = vector.load %arg9[%swap3A] : memref<4096xf32, #tpu.memory_space<vmem>>, vector<4096xf32>
    tpu.vector_store %arg9[%swap3A], %add3A_44 {strides = array<i32>} : memref<4096xf32, #tpu.memory_space<vmem>>, vector<4096xf32>,
    return
  }
  func.func @transform_0(%arg0: i32) -> (i32, i32) {
    %c0_i32 = arith.constant 0 : i32
    %c0_i32_0 = arith.constant 0 : i32
    return %arg0, %c0_i32 : i32, i32
  }
  func.func @transform_1(%arg0: i32) -> (i32, i32) {
    %c0_i32 = arith.constant 0 : i32
    %c0_i32_0 = arith.constant 0 : i32
    %c0_i32_1 = arith.constant 0 : i32
    return %c0_i32, %c0_i32_0 : i32, i32
  }
  func.func @transform_2(%arg0: i32) -> (i32, i32) {
    %c0_i32 = arith.constant 0 : i32
    %c0_i32_0 = arith.constant 0 : i32
    %c0_i32_1 = arith.constant 0 : i32
    return %c0_i32, %c0_i32_0 : i32, i32
  }
  func.func @transform_3(%arg0: i32) -> (i32, i32) {
    %c0_i32 = arith.constant 0 : i32
    %c0_i32_0 = arith.constant 0 : i32
    %c0_i32_1 = arith.constant 0 : i32
    return %c0_i32, %c0_i32_0 : i32, i32
  }
  func.func @transform_4(%arg0: i32) -> (i32, i32) {
    %c0_i32 = arith.constant 0 : i32
    %c0_i32_0 = arith.constant 0 : i32
    %c0_i32_1 = arith.constant 0 : i32
    return %c0_i32, %c0_i32_0 : i32, i32
  }
  func.func @transform_5(%arg0: i32) -> (i32, i32) {
    %c0_i32 = arith.constant 0 : i32
    %c0_i32_0 = arith.constant 0 : i32
    %c0_i32_1 = arith.constant 0 : i32
    return %c0_i32, %c0_i32_0 : i32, i32
  }
  func.func @transform_6(%arg0: i32) -> (i32, i32) {
    %c0_i32 = arith.constant 0 : i32
    %c0_i32_0 = arith.constant 0 : i32
    %c0_i32_1 = arith.constant 0 : i32
    return %c0_i32, %c0_i32_0 : i32, i32
  }
  func.func @transform_7(%arg0: i32) -> i32 {
    %c0_i32 = arith.constant 0 : i32
    %c0_i32_0 = arith.constant 0 : i32
    return %c0_i32 : i32
  }
  func.func @transform_8(%arg0: i32) -> i32 {
    %c0_i32 = arith.constant 0 : i32
    return %arg0 : i32
  }
}

</mosaic_0001>

<sc_bundles>
// kernel: kernel.4.cloned.1.call-start
scs
__scs_entry_jumppad:
0x0: {  	(pc) =	sbr.rel $0x88, $3  }
0x1: {  	(tag) =	ssettag $0x0;
	lr =	simm.s32 $0x1  }
0x2: {  	[smem:$0x3F97] =	sst lr;
	_ =	strace $0xD0000000  }
0x3: {  	_ = 	snop  }
0x4: {  	_ = 	snop  }
0x5: {  	_ = 	snop  }
0x6: {  	_ = 	snop  }
0x7: {  	_ = 	snop  }
__scs_overlays_trampoline_lowered:
0x8: {  	[smem:$0x3FA6] =	sst s0  }
0x9: {  	[smem:$0x3FA7] =	sst s1  }
0xa: {  	[smem:$0x3FA8] =	sst s2  }
0xb: {  	[smem:$0x3FA9] =	sst s3  }
0xc: {  	[smem:$0x3FAA] =	sst s4  }
0xd: {  	[smem:$0x3FAB] =	sst s5  }
0xe: {  	[smem:$0x3FAC] =	sst s6  }
0xf: {  	[smem:$0x3FAD] =	sst s7  }
0x10: {  	[smem:$0x3FAE] =	sst s8  }
0x11: {  	[smem:$0x3FAF] =	sst s9;
	s0 =	simm.s32 @!p0 $0x0  }
0x12: {  	s1 =	sld [smem:$0x3F95];
	s0 =	simm.s32 @p0 $0x1  }
0x13: {  	[smem:$0x3FB0] =	sst s0;
	s0 =	simm.s32 @!p1 $0x0  }
0x14: {  	s2 =	sld [smem:$0x3F94];
	s0 =	simm.s32 @p1 $0x1  }
0x15: {  	[smem:$0x3FB1] =	sst s0;
	s0 =	simm.s32 @!p2 $0x0  }
0x16: {  	s3 =	sld [smem:$0x3FDB];
	s0 =	simm.s32 @p2 $0x1  }
0x17: {  	s4 =	simm.s32 $0x1BF5;
	[smem:$0x3FB3] =	sst s0  }
0x18: {  	s0 =	sld [smem:$0x3F96];
	_ =	swait.ge [sflag:s4], $0x0  }
0x19: {  	s7 =	sld [smem:$0x3F97]  }
0x1a: {  	s8 =	sadd.s32 $0xFFFFE003, lr  }
0x1b: {  	s9 =	sadd.s32 $0xFFFFFEF7, lr;
	s5 =	simm.s32 $0xFFFFFFFF;
	p2 =	slt.u32 s8, $0xFFFFF086  }
0x1c: {  	p1 =	slt.u32 s9, $0xF7A;
	s5 =	simm.s32 @!p2 $0x0  }
0x1d: {  	s5 =	simm.s32 @p1 $0x1;
	p0 =	seq.s32 s7, s2  }
0x1e: {  	s7 =	smul.u32 @!p0 $0xF7A, s2;
	p2 =	seq.s32 @!p0 s5, $0x0  }
0x1f: {  	s9 =	smul.u32 $0xF7A, s1;
	s8 =	simm.s32 @!p0 $0x1BF5;
	p2 =	por !p2, p0  }
0x20: {  	[sflag:s8] =	ssyncset.s32 @!p0 $0xFFFFF086;
	s6 =	sadd.s32 @!p0 s3, s7;
	s7 =	simm.s32 @!p0 $0x108  }
0x21: {  	s3 =	sadd.s32 s3, s9;
	s6 =	sadd.s32 @!p0 $0x88, s6;
	s7 =	simm.s32 @p2 $0x1082  }
0x22: {  	[simem:s7], [sflag:s8] =	dma.local @!p0 [hbm:s6], $0xF7A  }
0x23: {  	s9 =	sor.u32 $0xD0000000, s2;
	s6 =	simm.s32 $0x108;
	_ =	swait.ge @!p0 [sflag:s8], $0x0  }
0x24: {  	s3 =	sadd.s32 $0x88, s3;
	s6 =	simm.s32 @!p1 $0x1082;
	[sflag:s4] =	ssyncset.s32 $0xFFFFF086  }
0x25: {  	[simem:s6], [sflag:s4] =	dma.local [hbm:s3], $0xF7A  }
0x26: {  	[smem:$0x3F97] =	sst s1;
	(tag) =	ssettag s2;
	_ =	strace s9  }
0x27: {  	s1 =	sld [smem:$0x3FA7]  }
0x28: {  	s2 =	sld [smem:$0x3FA8]  }
0x29: {  	s4 =	sld [smem:$0x3FAA]  }
0x2a: {  	p0 =	seq.s32 s5, $0x0;
	s5 =	sld [smem:$0x3FAB]  }
0x2b: {  	s6 =	sld [smem:$0x3FAC]  }
0x2c: {  	s7 =	sld [smem:$0x3FAD]  }
0x2d: {  	s3 =	simm.s32 $0x108;
	s8 =	sld [smem:$0x3FAE]  }
0x2e: {  	s3 =	simm.s32 @!p0 $0x1082;
	s9 =	sld [smem:$0x3FAF]  }
0x2f: {  	lr =	sadd.s32 s0, s3;
	s0 =	sld [smem:$0x3FA6]  }
0x30: {  	s3 =	sld [smem:$0x3FA9]  }
0x31: {  	[smem:$0x3FB2] =	sst s10  }
0x32: {  	s10 =	sld [smem:$0x3FB0];
	_ =	sdelay $0x3  }
0x33: {  	p0 =	seq.s32 s10, $0x1;
	s10 =	sld [smem:$0x3FB2];
	_ =	sdelay $0x3  }
0x34: {  	[smem:$0x3FB2] =	sst s10  }
0x35: {  	s10 =	sld [smem:$0x3FB1];
	_ =	sdelay $0x3  }
0x36: {  	p1 =	seq.s32 s10, $0x1;
	s10 =	sld [smem:$0x3FB2];
	_ =	sdelay $0x3  }
0x37: {  	[smem:$0x3FB2] =	sst s10  }
0x38: {  	s10 =	sld [smem:$0x3FB3]  }
0x39: {  	_ = 	snop;
	(pc) =	sbr.ind lr, $3  }
0x3a: {  	_ = 	snop  }
0x3b: {  	_ = 	snop  }
0x3c: {  	p2 =	seq.s32 s10, $0x1;
	s10 =	sld [smem:$0x3FB2]  }
0x3d: {  	_ =	shalt  }
0x3e: {  	_ =	shalt  }
0x3f: {  	_ =	shalt  }
0x40: {  	_ =	shalt  }
0x41: {  	_ =	shalt  }
0x42: {  	_ =	shalt  }
0x43: {  	_ =	shalt  }
0x44: {  	_ =	shalt  }
0x45: {  	_ =	shalt  }
0x46: {  	_ =	shalt  }
0x47: {  	_ =	shalt  }
0x48: {  	_ =	shalt  }
0x49: {  	_ =	shalt  }
0x4a: {  	_ =	shalt  }
0x4b: {  	_ =	shalt  }
0x4c: {  	_ =	shalt  }
0x4d: {  	_ =	shalt  }
0x4e: {  	_ =	shalt  }
0x4f: {  	_ =	shalt  }
0x50: {  	_ =	shalt  }
0x51: {  	_ =	shalt  }
0x52: {  	_ =	shalt  }
0x53: {  	_ =	shalt  }
0x54: {  	_ =	shalt  }
0x55: {  	_ =	shalt  }
0x56: {  	_ =	shalt  }
0x57: {  	_ =	shalt  }
0x58: {  	_ =	shalt  }
0x59: {  	_ =	shalt  }
0x5a: {  	_ =	shalt  }
0x5b: {  	_ =	shalt  }
0x5c: {  	_ =	shalt  }
0x5d: {  	_ =	shalt  }
0x5e: {  	_ =	shalt  }
0x5f: {  	_ =	shalt  }
0x60: {  	_ =	shalt  }
0x61: {  	_ =	shalt  }
0x62: {  	_ =	shalt  }
0x63: {  	_ =	shalt  }
0x64: {  	_ =	shalt  }
0x65: {  	_ =	shalt  }
0x66: {  	_ =	shalt  }
0x67: {  	_ =	shalt  }
0x68: {  	_ =	shalt  }
0x69: {  	_ =	shalt  }
0x6a: {  	_ =	shalt  }
0x6b: {  	_ =	shalt  }
0x6c: {  	_ =	shalt  }
0x6d: {  	_ =	shalt  }
0x6e: {  	_ =	shalt  }
0x6f: {  	_ =	shalt  }
0x70: {  	_ =	shalt  }
0x71: {  	_ =	shalt  }
0x72: {  	_ =	shalt  }
0x73: {  	_ =	shalt  }
0x74: {  	_ =	shalt  }
0x75: {  	_ =	shalt  }
0x76: {  	_ =	shalt  }
0x77: {  	_ =	shalt  }
0x78: {  	_ =	shalt  }
0x79: {  	_ =	shalt  }
0x7a: {  	_ =	shalt  }
0x7b: {  	_ =	shalt  }
0x7c: {  	_ =	shalt  }
0x7d: {  	_ =	shalt  }
0x7e: {  	_ =	shalt  }
0x7f: {  	_ =	shalt  }
0x80: {  	_ =	shalt  }
0x81: {  	_ =	shalt  }
0x82: {  	_ =	shalt  }
0x83: {  	_ =	shalt  }
0x84: {  	_ =	shalt  }
0x85: {  	_ =	shalt  }
0x86: {  	_ =	shalt  }
0x87: {  	_ =	shalt  }
.Lfunc_end0:
.L_simem_size_0:
called_computation_lowered:
.L_overlay_start_0:
0x88: {  	s2 =	sld [smem:$0x3FD9]  }
0x89: {  	s3 =	sld [smem:$0x3FFE];
	_ =	sdelay $0x1  }
0x8a: {  	s1 =	srdreg.scid  }
0x8b: {  	s0 =	sand.u32 $0x1, s1  }
0x8c: {  	s17 =	sshll.u32 s0, $0xA;
	s2 =	sadd.s32 s3, s2  }
0x8d: {  	s2 =	sadd.s32 s2, s17  }
0x8e: {  	[smem:$0x3FBE] =	sst s2  }
0x8f: {  	_ = 	snop  }
0x90: {  	s2 =	sld [smem:$0x3FC9]  }
0x91: {  	s18 =	sld [smem:$0x3FC8]  }
0x92: {  	s4 =	sld [smem:$0x3FC7]  }
0x93: {  	s5 =	sld [smem:$0x3FC6];
	(tm) =	ssettm $0x1  }
0x94: {  	s6 =	sld [smem:$0x3FFB];
	_ =	sdelay $0x3  }
0x95: {  	_ =	strace s6  }
0x96: {  	s6 =	sld [smem:$0x3FFC];
	_ =	sdelay $0x3  }
0x97: {  	_ =	strace s6  }
0x98: {  	s6 =	sld [smem:$0x3FFD];
	_ =	sdelay $0x3  }
0x99: {  	_ =	strace s6  }
0x9a: {  	_ =	strace $0x8FFFFFFF  }
0x9b: {  	s19 =	sld [smem:$0x3FDB];
	_ =	sdelay $0x1  }
0x9c: {  	s7 =	simm.s32 $_scs_section_size  }
0x9d: {  	s8 =	simm.s32 $_size__tile_overlayer_lowered;
	s9 =	simm.s32 $_tile_overlayer_lowered  }
0x9e: {  	s22 =	simm.s32 $0x1BFF;
	s21 =	sshll.u32 s9, $0x1;
	s6 =	sadd.s32 s7, s19  }
0x9f: {  	s10 =	simm.s32 $0x0;
	s20 =	sshll.u32 s8, $0x1;
	s8 =	sadd.s32 s21, s6  }
0xa0: {  	[timem:s10], [sflag:s22] =	dma.local [hbm:s8], s20  }
0xa1: {  	_ =	swait.ge [sflag:s22], s20  }
0xa2: {  	s7 =	ssub.s32 $0x0, s20;
	[sflag:s22] =	ssyncset.done $0x0  }
0xa3: {  	[sflag:s22] =	ssyncadd.s32 s7;
	_ =	sdelay $0x1  }
0xa4: {  	s23 =	simm.s32 $0x1B8B  }
0xa5: {  	_ =	swait.ge [sflag:s23], $0x1  }
0xa6: {  	[sflag:s23] =	ssyncset.done $0x0  }
0xa7: {  	s25 =	simm.s32 $0x1B8E;
	s24 =	sld [smem:$0x3FFE];
	[sflag:s23] =	ssyncadd.s32 $0xFFFFFFFF  }
0xa8: {  	s26 =	simm.s32 $execute0_lowered;
	[smem:$0x3FD2] =	sst s25  }
0xa9: {  	s8 =	sshll.u32 s26, $0x1;
	_ =	strace $0x80000046;
	[dreg:$0x1] =	wrdreg $0xFFFFFFFF  }
0xaa: {  	s28 =	simm.s32 $_size_execute0_lowered;
	s6 =	sadd.s32 s6, s8;
	[dreg:$0x0] =	wrdreg $0x0  }
0xab: {  	s8 =	sshll.u32 s28, $0x1;
	[dreg:$0x2] =	wrdreg s6  }
0xac: {  	[dreg:$0x3] =	wrdreg s8  }
0xad: {  	[dreg:$0x4] =	wrdreg $0xC0  }
0xae: {  	_ =	task [dreg:s10], $0x5FFFF  }
0xaf: {  	[dreg:$0x1] =	wrdreg $0xFFFFFFFF  }
0xb0: {  	[dreg:$0x0] =	wrdreg $0x60  }
0xb1: {  	[dreg:$0x2] =	wrdreg s2  }
0xb2: {  	[dreg:$0x3] =	wrdreg s18  }
0xb3: {  	[dreg:$0x4] =	wrdreg s4  }
0xb4: {  	[dreg:$0x5] =	wrdreg s5  }
0xb5: {  	[dreg:$0x6] =	wrdreg s24  }
0xb6: {  	[dreg:$0x7] =	wrdreg $0x9  }
0xb7: {  	_ =	task.clear_ibuf [dreg:s10], $0x8FFFF;
	_ =	strace $0x90000046  }
0xb8: {  	s29 =	simm.s32 $0x9;
	_ =	strace $0x80000048  }
0xb9: {  	_ =	swait.ge [sflag:s29], $0x1  }
0xba: {  	[sflag:s29] =	ssyncadd.s32 $0xFFFFFFFF  }
0xbb: {  	_ =	strace $0x90000048  }
0xbc: {  	_ =	sfence  }
0xbd: {  	s30 =	sld [smem:$0x0];
	_ =	sdelay $0x2  }
0xbe: {  	s31 =	sshll.u32 s1, $0xD;
	s1 =	sshrl.u32 s1, $0x2  }
0xbf: {  	s3 =	sand.u32 $0x4000, s31;
	s1 =	sadd.s32 s1, s30  }
0xc0: {  	s0 =	sor.u32 s3, s0;
	s1 =	sshll.u32 s1, $0x11  }
0xc1: {  	s0 =	sor.u32 s1, s0  }
0xc2: {  	s0 =	sadd.s32 $0x8F2B, s0  }
0xc3: {  	[sflag:s0] =	ssyncadd.remote.s32 $0x1  }
0xc4: {  	_ =	sfence.sel $0xFFFF  }
0xc5: {  	[dreg:$0x0] =	wrdreg $0xFFFFFFFF;
	(pc) =	sbr.abs _section_cstart, $3  }
0xc6: {  	[dreg:$0x1] =	wrdreg $0xFFFFFFFF  }
0xc7: {  	_ =	task.clear_ibuf [dreg:s10], $0x2FFFF;
	_ =	strace $0x9FFFFFFF  }
0xc8: {  	(tm) =	ssettm $0x7FFFFFFF  }
0xc9: {  	_ =	shalt  }
tec
execute0_lowered:
.L_overlay_start_1:
0x0: {  	(tag) =	ssettag $0x1  }
0x1: {  	s0 =	rddreg [dreg:$0x0]  }
0x2: {  	s2 =	rddreg [dreg:$0x1]  }
0x3: {  	s1 =	rddreg [dreg:$0x2]  }
0x4: {  	s3 =	rddreg [dreg:$0x3]  }
0x5: {  	s5 =	rddreg [dreg:$0x4];
	s4 =	srdreg.scid  }
0x6: {  	s7 =	stileid.u32;
	s12 =	simm.s32 $0x200;
	s13 =	simm.s32 $0x7  }
0x7: {  	s14 =	simm.s32 $0x8;
	s15 =	simm.s32 $0x80;
	s16 =	simm.s32 $0x400  }
0x8: {  	s17 =	simm.s32 $0x4400;
	s18 =	simm.s32 $0x8400;
	s20 =	simm.s32 $0xC400  }
0x9: {  	s21 =	simm.s32 $0x1;
	s22 =	simm.s32 $0x2;
	s23 =	simm.s32 $0x10400  }
0xa: {  	s26 =	simm.s32 $0x3;
	s28 =	simm.s32 $0x4;
	s29 =	simm.s32 $0x14400  }
0xb: {  	s31 =	simm.s32 $0x380;
	s19 =	simm.s32 $0x0;
	s6 =	sand.u32 $0x1, s4  }
0xc: {  	s4 =	simm.s32 $0x0;
	s7 =	sshll.u32 s7, $0xA;
	s8 =	sshll.u32 s6, $0x9  }
0xd: {  	[smem:$0x7FF] =	sst s4;
	s6 =	ssub.s32 $0x2, s6;
	s7 =	sor.u32 s8, s7  }
0xe: {  	_ =	strace $0x80000047;
	s30 =	sshrl.u32 s6, $0x1;
	s8 =	sshll.u32 s7, $0x4  }
0xf: {  	s7 =	sshrl.u32 s7, $0x3;
	s11 =	ssub.s32 s6, s30;
	s10 =	sadd.s32 s8, s5  }
0x10: {  	s5 =	sadd.s32 s0, s7;
	s6 =	sadd.s32 s2, s7;
	s11 =	smax.u32 s11, $0x1  }
0x11: {  	s0 =	simm.s32 $0x5;
	s2 =	simm.s32 $0x6;
	s7 =	sadd.s32 $0x1400, s10  }
0x12: {  	s8 =	sadd.s32 $0x1C00, s10;
	s9 =	sadd.s32 $0x2400, s10;
	s10 =	sadd.s32 $0x2C00, s10  }
.LBB2_1:
0x13: {  	[tilespmem:s4], [sflag:$0x7] =	stream.linear.gather [hbm4b:s5+s4], $0x200, $0x38;
	[tilespmem:$0x18400] =	vst v63  }
0x14: {  	_ = 	snop  }
0x15: {  	[tilespmem:s12], [sflag:$0x8] =	stream.linear.gather [hbm4b:s6+s4], $0x200, $0x38;
	[tilespmem:$0x18400] =	vst v63  }
0x16: {  	_ =	swait.ge [sflag:s13], $0x200  }
0x17: {  	[sflag:s13] =	ssyncset.done $0x0  }
0x18: {  	[sflag:s13] =	ssyncadd.s32 $0xFFFFFE00  }
0x19: {  	_ =	swait.ge [sflag:s14], $0x200  }
0x1a: {  	[sflag:s14] =	ssyncset.done $0x0  }
0x1b: {  	[sflag:s14] =	ssyncadd.s32 $0xFFFFFE00  }
0x1c: {  	[tilespmem:s16], [sflag:$0x1] =	stream.indirect.gather [hbm4b:s1+s15], $0x80, s4, s15, $0xb8;
	[tilespmem:$0x18400] =	vst v63  }
0x1d: {  	_ = 	snop  }
0x1e: {  	[tilespmem:s17], [sflag:$0x2] =	stream.indirect.gather [hbm4b:s3+s15], $0x80, s12, s15, $0xb8;
	[tilespmem:$0x18400] =	vst v63  }
0x1f: {  	_ = 	snop  }
0x20: {  	[tilespmem:s18], [sflag:$0x3] =	stream.indirect.gather [hbm4b:s1+s15], $0x80, s15, s15, $0xb8;
	[tilespmem:$0x18400] =	vst v63  }
0x21: {  	s24 =	simm.s32 $0x280  }
0x22: {  	[tilespmem:s20], [sflag:$0x4] =	stream.indirect.gather [hbm4b:s3+s15], $0x80, s24, s15, $0xb8;
	[tilespmem:$0x18400] =	vst v63  }
0x23: {  	_ =	swait.ge [sflag:s21], $0x4000  }
0x24: {  	[sflag:s21] =	ssyncset.done $0x0  }
0x25: {  	[sflag:s21] =	ssyncadd.s32 $0xFFFFC000  }
0x26: {  	_ =	swait.ge [sflag:s22], $0x4000  }
0x27: {  	[sflag:s22] =	ssyncset.done $0x0  }
0x28: {  	s24 =	simm.s32 $0x0;
	[sflag:s22] =	ssyncadd.s32 $0xFFFFC000  }
0x29: {  	v0 =	vld [tilespmem:s24+$0x4460]  }
0x2a: {  	v1 =	vld [tilespmem:s24+$0x4470]  }
0x2b: {  	v2 =	vld [tilespmem:s24+$0x400]  }
0x2c: {  	v3 =	vld [tilespmem:s24+$0x410]  }
0x2d: {  	v4 =	vld [tilespmem:s24+$0x420]  }
0x2e: {  	v5 =	vld [tilespmem:s24+$0x430]  }
0x2f: {  	v6 =	vld [tilespmem:s24+$0x440]  }
0x30: {  	v7 =	vld [tilespmem:s24+$0x450];
	v0 =	vadd.s32 $0x8000, v0;
	v1 =	vadd.s32 $0x8000, v1;
	v2 =	vadd.s32 $0x8000, v2  }
0x31: {  	v8 =	vld [tilespmem:s24+$0x460];
	v3 =	vadd.s32 $0x8000, v3;
	v0 =	vshrl.u32 v0, $0x10;
	v1 =	vand.u32 $0xFFFF0000, v1  }
0x32: {  	v9 =	vld [tilespmem:s24+$0x470];
	v0 =	vor.u32 v0, v1;
	v1 =	vshrl.u32 v2, $0x10;
	v2 =	vand.u32 $0xFFFF0000, v3  }
0x33: {  	v10 =	vld [tilespmem:s24+$0x4400];
	[tilespmem:s24+$0x10470] =	vst v0;
	v0 =	vor.u32 v1, v2;
	v1 =	vadd.s32 $0x8000, v4;
	v2 =	vadd.s32 $0x8000, v5  }
0x34: {  	v11 =	vld [tilespmem:s24+$0x4410];
	[tilespmem:s24+$0x10400] =	vst v0;
	v0 =	vshrl.u32 v1, $0x10;
	v1 =	vand.u32 $0xFFFF0000, v2  }
0x35: {  	v3 =	vadd.s32 $0x8000, v7;
	v2 =	vadd.s32 $0x8000, v6;
	v0 =	vor.u32 v0, v1;
	v1 =	vld [tilespmem:s24+$0x4420]  }
0x36: {  	[tilespmem:s24+$0x10410] =	vst v0;
	v0 =	vshrl.u32 v2, $0x10;
	v2 =	vand.u32 $0xFFFF0000, v3;
	v3 =	vld [tilespmem:s24+$0x4430]  }
0x37: {  	v4 =	vadd.s32 $0x8000, v8;
	v5 =	vadd.s32 $0x8000, v9;
	v0 =	vor.u32 v0, v2;
	v2 =	vld [tilespmem:s24+$0x4440]  }
0x38: {  	s25 =	simm.s32 $0x80;
	v7 =	vadd.s32 $0x8000, v10;
	v6 =	vshrl.u32 v4, $0x10;
	v5 =	vand.u32 $0xFFFF0000, v5;
	v4 =	vld [tilespmem:s24+$0x4450];
	[tilespmem:s24+$0x10420] =	vst v0  }
0x39: {  	s30 =	simm.s32 $0x400;
	v6 =	vor.u32 v6, v5;
	v5 =	vshrl.u32 v7, $0x10;
	v7 =	vadd.s32 $0x8000, v11;
	v0 =	vld [tilespmem:s25+$0x4460]  }
.LBB2_2:
0x3a: {  	p0 =	sne.s32 s30, $0xFE00;
	v8 =	vld [tilespmem:s25+$0x4470];
	[tilespmem:s24+$0x10430] =	vst v6;
	v6 =	vand.u32 $0xFFFF0000, v7;
	v1 =	vadd.s32 $0x8000, v1  }
0x3b: {  	v7 =	vld [tilespmem:s25+$0x400];
	v5 =	vor.u32 v5, v6;
	v1 =	vshrl.u32 v1, $0x10;
	v3 =	vadd.s32 $0x8000, v3  }
0x3c: {  	v6 =	vld [tilespmem:s25+$0x410];
	[tilespmem:s24+$0x10440] =	vst v5;
	v3 =	vand.u32 $0xFFFF0000, v3;
	v2 =	vadd.s32 $0x8000, v2  }
0x3d: {  	v5 =	vld [tilespmem:s25+$0x420];
	v1 =	vor.u32 v1, v3;
	v2 =	vshrl.u32 v2, $0x10;
	v3 =	vadd.s32 $0x8000, v4  }
0x3e: {  	v4 =	vld [tilespmem:s25+$0x430];
	[tilespmem:s24+$0x10450] =	vst v1;
	v1 =	vand.u32 $0xFFFF0000, v3  }
0x3f: {  	v0 =	vadd.s32 $0x8000, v0;
	v3 =	vld [tilespmem:s25+$0x440];
	v8 =	vadd.s32 $0x8000, v8;
	v1 =	vor.u32 v2, v1  }
0x40: {  	v0 =	vshrl.u32 v0, $0x10;
	v2 =	vadd.s32 $0x8000, v7;
	v7 =	vld [tilespmem:s25+$0x450];
	v8 =	vand.u32 $0xFFFF0000, v8;
	[tilespmem:s24+$0x10460] =	vst v1;
	s24 =	smov.u32 s25  }
0x41: {  	v1 =	vshrl.u32 v2, $0x10;
	v2 =	vadd.s32 $0x8000, v6;
	v6 =	vld [tilespmem:s24+$0x460];
	v0 =	vor.u32 v0, v8  }
0x42: {  	v2 =	vand.u32 $0xFFFF0000, v2;
	v5 =	vadd.s32 $0x8000, v5;
	v8 =	vld [tilespmem:s24+$0x470];
	[tilespmem:s24+$0x10470] =	vst v0  }
0x43: {  	v0 =	vor.u32 v1, v2;
	v1 =	vshrl.u32 v5, $0x10;
	v2 =	vadd.s32 $0x8000, v4;
	v4 =	vld [tilespmem:s24+$0x4400]  }
0x44: {  	[tilespmem:s24+$0x10400] =	vst v0;
	v0 =	vand.u32 $0xFFFF0000, v2;
	v2 =	vadd.s32 $0x8000, v3;
	v9 =	vld [tilespmem:s24+$0x4410]  }
.Ltmp0:
0x45: {  	v0 =	vor.u32 v1, v0;
	v2 =	vshrl.u32 v2, $0x10;
	v3 =	vadd.s32 $0x8000, v7;
	v1 =	vld [tilespmem:s24+$0x4420];
	(pc) =	sbr.rel @p0 .LBB2_2-.Ltmp0, $4  }
0x46: {  	[tilespmem:s24+$0x10410] =	vst v0;
	v0 =	vand.u32 $0xFFFF0000, v3;
	v5 =	vadd.s32 $0x8000, v6;
	v3 =	vld [tilespmem:s24+$0x4430]  }
0x47: {  	v0 =	vor.u32 v2, v0;
	v5 =	vshrl.u32 v5, $0x10;
	v6 =	vadd.s32 $0x8000, v8;
	v2 =	vld [tilespmem:s24+$0x4440]  }
0x48: {  	s25 =	sshra.s32 s30, $0x2;
	[tilespmem:s24+$0x10420] =	vst v0;
	v6 =	vand.u32 $0xFFFF0000, v6;
	v7 =	vadd.s32 $0x8000, v4;
	v4 =	vld [tilespmem:s24+$0x4450]  }
0x49: {  	s30 =	sadd.s32 $0x200, s30;
	v0 =	vld [tilespmem:s25+$0x4460];
	v6 =	vor.u32 v5, v6;
	v5 =	vshrl.u32 v7, $0x10;
	v7 =	vadd.s32 $0x8000, v9  }
0x4a: {  	v8 =	vld [tilespmem:s25+$0x4470];
	[tilespmem:s24+$0x10430] =	vst v6;
	v6 =	vand.u32 $0xFFFF0000, v7  }
0x4b: {  	v1 =	vadd.s32 $0x8000, v1;
	v7 =	vld [tilespmem:s25+$0x400];
	v5 =	vor.u32 v5, v6;
	v3 =	vadd.s32 $0x8000, v3  }
0x4c: {  	v6 =	vld [tilespmem:s25+$0x410];
	v1 =	vshrl.u32 v1, $0x10;
	[tilespmem:s24+$0x10440] =	vst v5;
	v3 =	vand.u32 $0xFFFF0000, v3  }
0x4d: {  	v2 =	vadd.s32 $0x8000, v2;
	v5 =	vld [tilespmem:s25+$0x420];
	v1 =	vor.u32 v1, v3;
	v4 =	vadd.s32 $0x8000, v4  }
0x4e: {  	v3 =	vld [tilespmem:s25+$0x430];
	[tilespmem:s24+$0x10450] =	vst v1;
	v1 =	vshrl.u32 v2, $0x10;
	v2 =	vand.u32 $0xFFFF0000, v4  }
0x4f: {  	v0 =	vadd.s32 $0x8000, v0;
	v4 =	vld [tilespmem:s25+$0x440];
	v1 =	vor.u32 v1, v2  }
0x50: {  	v2 =	vld [tilespmem:s25+$0x450];
	v8 =	vadd.s32 $0x8000, v8;
	v0 =	vshrl.u32 v0, $0x10;
	[tilespmem:s24+$0x10460] =	vst v1  }
0x51: {  	v1 =	vand.u32 $0xFFFF0000, v8;
	v7 =	vadd.s32 $0x8000, v7;
	v6 =	vadd.s32 $0x8000, v6;
	v8 =	vld [tilespmem:s25+$0x460]  }
0x52: {  	v0 =	vor.u32 v0, v1;
	v1 =	vld [tilespmem:s25+$0x470];
	v7 =	vshrl.u32 v7, $0x10;
	v6 =	vand.u32 $0xFFFF0000, v6  }
0x53: {  	[tilespmem:s25+$0x10470] =	vst v0;
	v0 =	vor.u32 v7, v6;
	v6 =	vld [tilespmem:s25+$0x4400];
	v5 =	vadd.s32 $0x8000, v5;
	v3 =	vadd.s32 $0x8000, v3  }
0x54: {  	v7 =	vld [tilespmem:s25+$0x4450];
	[tilespmem:s25+$0x10400] =	vst v0;
	v0 =	vshrl.u32 v5, $0x10;
	v3 =	vand.u32 $0xFFFF0000, v3  }
0x55: {  	v5 =	vld [tilespmem:s25+$0x4410];
	v0 =	vor.u32 v0, v3;
	v4 =	vadd.s32 $0x8000, v4;
	v2 =	vadd.s32 $0x8000, v2  }
0x56: {  	v3 =	vld [tilespmem:s25+$0x4420];
	[tilespmem:s25+$0x10410] =	vst v0;
	v0 =	vshrl.u32 v4, $0x10;
	v2 =	vand.u32 $0xFFFF0000, v2  }
0x57: {  	v4 =	vld [tilespmem:s25+$0x4430];
	v0 =	vor.u32 v0, v2  }
0x58: {  	v2 =	vld [tilespmem:s25+$0x4440];
	v1 =	vadd.s32 $0x8000, v1;
	[tilespmem:s25+$0x10420] =	vst v0;
	v0 =	vadd.s32 $0x8000, v8  }
0x59: {  	v1 =	vand.u32 $0xFFFF0000, v1;
	v0 =	vshrl.u32 v0, $0x10  }
0x5a: {  	v6 =	vadd.s32 $0x8000, v6;
	v0 =	vor.u32 v0, v1;
	v1 =	vadd.s32 $0x8000, v5  }
0x5b: {  	v5 =	vshrl.u32 v6, $0x10;
	v3 =	vadd.s32 $0x8000, v3;
	v1 =	vand.u32 $0xFFFF0000, v1  }
0x5c: {  	v3 =	vshrl.u32 v3, $0x10;
	v4 =	vadd.s32 $0x8000, v4;
	v1 =	vor.u32 v5, v1  }
0x5d: {  	[tilespmem:s25+$0x10430] =	vst v0;
	v0 =	vand.u32 $0xFFFF0000, v4;
	v2 =	vadd.s32 $0x8000, v2;
	v4 =	vadd.s32 $0x8000, v7  }
0x5e: {  	[tilespmem:s25+$0x10440] =	vst v1;
	v0 =	vor.u32 v3, v0;
	v1 =	vshrl.u32 v2, $0x10;
	v2 =	vand.u32 $0xFFFF0000, v4  }
0x5f: {  	[tilespmem:s25+$0x10450] =	vst v0;
	v0 =	vor.u32 v1, v2  }
0x60: {  	[tilespmem:s25+$0x10460] =	vst v0;
	s25 =	simm.s32 $0x0  }
0x61: {  	[hbm4b:s7+s25] =	stream.linear.scatter [tilespmem:s23], [sflag:$0x5], $0x4000, $0x38;
	[tilespmem:$0x18400] =	vst v63  }
0x62: {  	s25 =	simm.s32 $0x100  }
0x63: {  	[tilespmem:s16], [sflag:$0x1] =	stream.indirect.gather [hbm4b:s1+s15], $0x80, s25, s15, $0xb8;
	[tilespmem:$0x18400] =	vst v63  }
0x64: {  	s25 =	simm.s32 $0x300  }
0x65: {  	[tilespmem:s17], [sflag:$0x2] =	stream.indirect.gather [hbm4b:s3+s15], $0x80, s25, s15, $0xb8;
	[tilespmem:$0x18400] =	vst v63  }
0x66: {  	_ =	swait.ge [sflag:s26], $0x4000  }
0x67: {  	[sflag:s26] =	ssyncset.done $0x0  }
0x68: {  	[sflag:s26] =	ssyncadd.s32 $0xFFFFC000  }
0x69: {  	_ =	swait.ge [sflag:s28], $0x4000  }
0x6a: {  	[sflag:s28] =	ssyncset.done $0x0  }
0x6b: {  	s24 =	simm.s32 $0x0;
	[sflag:s28] =	ssyncadd.s32 $0xFFFFC000  }
0x6c: {  	v0 =	vld [tilespmem:s24+$0xC460]  }
0x6d: {  	v1 =	vld [tilespmem:s24+$0xC470]  }
0x6e: {  	v2 =	vld [tilespmem:s24+$0x8400]  }
0x6f: {  	v3 =	vld [tilespmem:s24+$0x8410]  }
0x70: {  	v4 =	vld [tilespmem:s24+$0x8420]  }
0x71: {  	v5 =	vld [tilespmem:s24+$0x8430]  }
0x72: {  	v6 =	vld [tilespmem:s24+$0x8440]  }
0x73: {  	v7 =	vld [tilespmem:s24+$0x8450];
	v0 =	vadd.s32 $0x8000, v0;
	v1 =	vadd.s32 $0x8000, v1;
	v2 =	vadd.s32 $0x8000, v2  }
0x74: {  	v8 =	vld [tilespmem:s24+$0x8460];
	v3 =	vadd.s32 $0x8000, v3;
	v0 =	vshrl.u32 v0, $0x10;
	v1 =	vand.u32 $0xFFFF0000, v1  }
0x75: {  	v9 =	vld [tilespmem:s24+$0x8470];
	v0 =	vor.u32 v0, v1;
	v1 =	vshrl.u32 v2, $0x10;
	v2 =	vand.u32 $0xFFFF0000, v3  }
0x76: {  	v10 =	vld [tilespmem:s24+$0xC400];
	[tilespmem:s24+$0x14470] =	vst v0;
	v0 =	vor.u32 v1, v2;
	v1 =	vadd.s32 $0x8000, v4;
	v2 =	vadd.s32 $0x8000, v5  }
0x77: {  	v11 =	vld [tilespmem:s24+$0xC410];
	[tilespmem:s24+$0x14400] =	vst v0;
	v0 =	vshrl.u32 v1, $0x10;
	v1 =	vand.u32 $0xFFFF0000, v2  }
0x78: {  	v3 =	vadd.s32 $0x8000, v7;
	v2 =	vadd.s32 $0x8000, v6;
	v0 =	vor.u32 v0, v1;
	v1 =	vld [tilespmem:s24+$0xC420]  }
0x79: {  	[tilespmem:s24+$0x14410] =	vst v0;
	v0 =	vshrl.u32 v2, $0x10;
	v2 =	vand.u32 $0xFFFF0000, v3;
	v3 =	vld [tilespmem:s24+$0xC430]  }
0x7a: {  	v4 =	vadd.s32 $0x8000, v8;
	v5 =	vadd.s32 $0x8000, v9;
	v0 =	vor.u32 v0, v2;
	v2 =	vld [tilespmem:s24+$0xC440]  }
0x7b: {  	s25 =	simm.s32 $0x80;
	v7 =	vadd.s32 $0x8000, v10;
	v6 =	vshrl.u32 v4, $0x10;
	v5 =	vand.u32 $0xFFFF0000, v5;
	v4 =	vld [tilespmem:s24+$0xC450];
	[tilespmem:s24+$0x14420] =	vst v0  }
0x7c: {  	s30 =	simm.s32 $0x400;
	v6 =	vor.u32 v6, v5;
	v5 =	vshrl.u32 v7, $0x10;
	v7 =	vadd.s32 $0x8000, v11;
	v0 =	vld [tilespmem:s25+$0xC460]  }
.LBB2_4:
0x7d: {  	p0 =	sne.s32 s30, $0xFE00;
	v8 =	vld [tilespmem:s25+$0xC470];
	[tilespmem:s24+$0x14430] =	vst v6;
	v6 =	vand.u32 $0xFFFF0000, v7;
	v1 =	vadd.s32 $0x8000, v1  }
0x7e: {  	v7 =	vld [tilespmem:s25+$0x8400];
	v5 =	vor.u32 v5, v6;
	v1 =	vshrl.u32 v1, $0x10;
	v3 =	vadd.s32 $0x8000, v3  }
0x7f: {  	v6 =	vld [tilespmem:s25+$0x8410];
	[tilespmem:s24+$0x14440] =	vst v5;
	v3 =	vand.u32 $0xFFFF0000, v3;
	v2 =	vadd.s32 $0x8000, v2  }
0x80: {  	v5 =	vld [tilespmem:s25+$0x8420];
	v1 =	vor.u32 v1, v3;
	v2 =	vshrl.u32 v2, $0x10;
	v3 =	vadd.s32 $0x8000, v4  }
0x81: {  	v4 =	vld [tilespmem:s25+$0x8430];
	[tilespmem:s24+$0x14450] =	vst v1;
	v1 =	vand.u32 $0xFFFF0000, v3  }
0x82: {  	v0 =	vadd.s32 $0x8000, v0;
	v3 =	vld [tilespmem:s25+$0x8440];
	v8 =	vadd.s32 $0x8000, v8;
	v1 =	vor.u32 v2, v1  }
0x83: {  	v0 =	vshrl.u32 v0, $0x10;
	v2 =	vadd.s32 $0x8000, v7;
	v7 =	vld [tilespmem:s25+$0x8450];
	v8 =	vand.u32 $0xFFFF0000, v8;
	[tilespmem:s24+$0x14460] =	vst v1;
	s24 =	smov.u32 s25  }
0x84: {  	v1 =	vshrl.u32 v2, $0x10;
	v2 =	vadd.s32 $0x8000, v6;
	v6 =	vld [tilespmem:s24+$0x8460];
	v0 =	vor.u32 v0, v8  }
0x85: {  	v2 =	vand.u32 $0xFFFF0000, v2;
	v5 =	vadd.s32 $0x8000, v5;
	v8 =	vld [tilespmem:s24+$0x8470];
	[tilespmem:s24+$0x14470] =	vst v0  }
0x86: {  	v0 =	vor.u32 v1, v2;
	v1 =	vshrl.u32 v5, $0x10;
	v2 =	vadd.s32 $0x8000, v4;
	v4 =	vld [tilespmem:s24+$0xC400]  }
0x87: {  	[tilespmem:s24+$0x14400] =	vst v0;
	v0 =	vand.u32 $0xFFFF0000, v2;
	v2 =	vadd.s32 $0x8000, v3;
	v9 =	vld [tilespmem:s24+$0xC410]  }
.Ltmp1:
0x88: {  	v0 =	vor.u32 v1, v0;
	v2 =	vshrl.u32 v2, $0x10;
	v3 =	vadd.s32 $0x8000, v7;
	v1 =	vld [tilespmem:s24+$0xC420];
	(pc) =	sbr.rel @p0 .LBB2_4-.Ltmp1, $4  }
0x89: {  	[tilespmem:s24+$0x14410] =	vst v0;
	v0 =	vand.u32 $0xFFFF0000, v3;
	v5 =	vadd.s32 $0x8000, v6;
	v3 =	vld [tilespmem:s24+$0xC430]  }
0x8a: {  	v0 =	vor.u32 v2, v0;
	v5 =	vshrl.u32 v5, $0x10;
	v6 =	vadd.s32 $0x8000, v8;
	v2 =	vld [tilespmem:s24+$0xC440]  }
0x8b: {  	s25 =	sshra.s32 s30, $0x2;
	[tilespmem:s24+$0x14420] =	vst v0;
	v6 =	vand.u32 $0xFFFF0000, v6;
	v7 =	vadd.s32 $0x8000, v4;
	v4 =	vld [tilespmem:s24+$0xC450]  }
0x8c: {  	s30 =	sadd.s32 $0x200, s30;
	v0 =	vld [tilespmem:s25+$0xC460];
	v6 =	vor.u32 v5, v6;
	v5 =	vshrl.u32 v7, $0x10;
	v7 =	vadd.s32 $0x8000, v9  }
0x8d: {  	v8 =	vld [tilespmem:s25+$0xC470];
	[tilespmem:s24+$0x14430] =	vst v6;
	v6 =	vand.u32 $0xFFFF0000, v7  }
0x8e: {  	v1 =	vadd.s32 $0x8000, v1;
	v7 =	vld [tilespmem:s25+$0x8400];
	v5 =	vor.u32 v5, v6;
	v3 =	vadd.s32 $0x8000, v3  }
0x8f: {  	v6 =	vld [tilespmem:s25+$0x8410];
	v1 =	vshrl.u32 v1, $0x10;
	[tilespmem:s24+$0x14440] =	vst v5;
	v3 =	vand.u32 $0xFFFF0000, v3  }
0x90: {  	v2 =	vadd.s32 $0x8000, v2;
	v5 =	vld [tilespmem:s25+$0x8420];
	v1 =	vor.u32 v1, v3;
	v4 =	vadd.s32 $0x8000, v4  }
0x91: {  	v3 =	vld [tilespmem:s25+$0x8430];
	[tilespmem:s24+$0x14450] =	vst v1;
	v1 =	vshrl.u32 v2, $0x10;
	v2 =	vand.u32 $0xFFFF0000, v4  }
0x92: {  	v0 =	vadd.s32 $0x8000, v0;
	v4 =	vld [tilespmem:s25+$0x8440];
	v1 =	vor.u32 v1, v2  }
0x93: {  	v2 =	vld [tilespmem:s25+$0x8450];
	v8 =	vadd.s32 $0x8000, v8;
	v0 =	vshrl.u32 v0, $0x10;
	[tilespmem:s24+$0x14460] =	vst v1  }
0x94: {  	v1 =	vand.u32 $0xFFFF0000, v8;
	v7 =	vadd.s32 $0x8000, v7;
	v6 =	vadd.s32 $0x8000, v6;
	v8 =	vld [tilespmem:s25+$0x8460]  }
0x95: {  	v0 =	vor.u32 v0, v1;
	v1 =	vld [tilespmem:s25+$0x8470];
	v7 =	vshrl.u32 v7, $0x10;
	v6 =	vand.u32 $0xFFFF0000, v6  }
0x96: {  	[tilespmem:s25+$0x14470] =	vst v0;
	v0 =	vor.u32 v7, v6;
	v6 =	vld [tilespmem:s25+$0xC400];
	v5 =	vadd.s32 $0x8000, v5;
	v3 =	vadd.s32 $0x8000, v3  }
0x97: {  	v7 =	vld [tilespmem:s25+$0xC450];
	[tilespmem:s25+$0x14400] =	vst v0;
	v0 =	vshrl.u32 v5, $0x10;
	v3 =	vand.u32 $0xFFFF0000, v3  }
0x98: {  	v5 =	vld [tilespmem:s25+$0xC410];
	v0 =	vor.u32 v0, v3;
	v4 =	vadd.s32 $0x8000, v4;
	v2 =	vadd.s32 $0x8000, v2  }
0x99: {  	v3 =	vld [tilespmem:s25+$0xC420];
	[tilespmem:s25+$0x14410] =	vst v0;
	v0 =	vshrl.u32 v4, $0x10;
	v2 =	vand.u32 $0xFFFF0000, v2  }
0x9a: {  	v4 =	vld [tilespmem:s25+$0xC430];
	v0 =	vor.u32 v0, v2  }
0x9b: {  	v2 =	vld [tilespmem:s25+$0xC440];
	v1 =	vadd.s32 $0x8000, v1;
	[tilespmem:s25+$0x14420] =	vst v0;
	v0 =	vadd.s32 $0x8000, v8  }
0x9c: {  	v1 =	vand.u32 $0xFFFF0000, v1;
	v0 =	vshrl.u32 v0, $0x10  }
0x9d: {  	v6 =	vadd.s32 $0x8000, v6;
	v0 =	vor.u32 v0, v1;
	v1 =	vadd.s32 $0x8000, v5  }
0x9e: {  	v5 =	vshrl.u32 v6, $0x10;
	v3 =	vadd.s32 $0x8000, v3;
	v1 =	vand.u32 $0xFFFF0000, v1  }
0x9f: {  	v3 =	vshrl.u32 v3, $0x10;
	v4 =	vadd.s32 $0x8000, v4;
	v1 =	vor.u32 v5, v1  }
0xa0: {  	[tilespmem:s25+$0x14430] =	vst v0;
	v0 =	vand.u32 $0xFFFF0000, v4;
	v2 =	vadd.s32 $0x8000, v2;
	v4 =	vadd.s32 $0x8000, v7  }
0xa1: {  	[tilespmem:s25+$0x14440] =	vst v1;
	v0 =	vor.u32 v3, v0;
	v1 =	vshrl.u32 v2, $0x10;
	v2 =	vand.u32 $0xFFFF0000, v4  }
0xa2: {  	[tilespmem:s25+$0x14450] =	vst v0;
	v0 =	vor.u32 v1, v2  }
0xa3: {  	[tilespmem:s25+$0x14460] =	vst v0;
	s25 =	simm.s32 $0x0  }
0xa4: {  	[hbm4b:s8+s25] =	stream.linear.scatter [tilespmem:s29], [sflag:$0x6], $0x4000, $0x38;
	[tilespmem:$0x18400] =	vst v63  }
0xa5: {  	s25 =	simm.s32 $0x180  }
0xa6: {  	[tilespmem:s18], [sflag:$0x3] =	stream.indirect.gather [hbm4b:s1+s15], $0x80, s25, s15, $0xb8;
	[tilespmem:$0x18400] =	vst v63  }
0xa7: {  	_ = 	snop  }
0xa8: {  	[tilespmem:s20], [sflag:$0x4] =	stream.indirect.gather [hbm4b:s3+s15], $0x80, s31, s15, $0xb8;
	[tilespmem:$0x18400] =	vst v63  }
0xa9: {  	_ =	swait.ge [sflag:s21], $0x4000  }
0xaa: {  	[sflag:s21] =	ssyncset.done $0x0  }
0xab: {  	[sflag:s21] =	ssyncadd.s32 $0xFFFFC000  }
0xac: {  	_ =	swait.ge [sflag:s22], $0x4000  }
0xad: {  	[sflag:s22] =	ssyncset.done $0x0  }
0xae: {  	[sflag:s22] =	ssyncadd.s32 $0xFFFFC000  }
0xaf: {  	_ =	swait.ge [sflag:s0], $0x4000  }
0xb0: {  	[sflag:s0] =	ssyncset.done $0x0  }
0xb1: {  	s24 =	simm.s32 $0x0;
	[sflag:s0] =	ssyncadd.s32 $0xFFFFC000  }
0xb2: {  	v0 =	vld [tilespmem:s24+$0x4460]  }
0xb3: {  	v1 =	vld [tilespmem:s24+$0x4470]  }
0xb4: {  	v2 =	vld [tilespmem:s24+$0x400]  }
0xb5: {  	v3 =	vld [tilespmem:s24+$0x410]  }
0xb6: {  	v4 =	vld [tilespmem:s24+$0x420]  }
0xb7: {  	v5 =	vld [tilespmem:s24+$0x430]  }
0xb8: {  	v6 =	vld [tilespmem:s24+$0x440]  }
0xb9: {  	v7 =	vld [tilespmem:s24+$0x450];
	v0 =	vadd.s32 $0x8000, v0;
	v1 =	vadd.s32 $0x8000, v1;
	v2 =	vadd.s32 $0x8000, v2  }
0xba: {  	v8 =	vld [tilespmem:s24+$0x460];
	v3 =	vadd.s32 $0x8000, v3;
	v0 =	vshrl.u32 v0, $0x10;
	v1 =	vand.u32 $0xFFFF0000, v1  }
0xbb: {  	v9 =	vld [tilespmem:s24+$0x470];
	v0 =	vor.u32 v0, v1;
	v1 =	vshrl.u32 v2, $0x10;
	v2 =	vand.u32 $0xFFFF0000, v3  }
0xbc: {  	v10 =	vld [tilespmem:s24+$0x4400];
	[tilespmem:s24+$0x10470] =	vst v0;
	v0 =	vor.u32 v1, v2;
	v1 =	vadd.s32 $0x8000, v4;
	v2 =	vadd.s32 $0x8000, v5  }
0xbd: {  	v11 =	vld [tilespmem:s24+$0x4410];
	[tilespmem:s24+$0x10400] =	vst v0;
	v0 =	vshrl.u32 v1, $0x10;
	v1 =	vand.u32 $0xFFFF0000, v2  }
0xbe: {  	v3 =	vadd.s32 $0x8000, v7;
	v2 =	vadd.s32 $0x8000, v6;
	v0 =	vor.u32 v0, v1;
	v1 =	vld [tilespmem:s24+$0x4420]  }
0xbf: {  	[tilespmem:s24+$0x10410] =	vst v0;
	v0 =	vshrl.u32 v2, $0x10;
	v2 =	vand.u32 $0xFFFF0000, v3;
	v3 =	vld [tilespmem:s24+$0x4430]  }
0xc0: {  	v4 =	vadd.s32 $0x8000, v8;
	v5 =	vadd.s32 $0x8000, v9;
	v0 =	vor.u32 v0, v2;
	v2 =	vld [tilespmem:s24+$0x4440]  }
0xc1: {  	s25 =	simm.s32 $0x80;
	v7 =	vadd.s32 $0x8000, v10;
	v6 =	vshrl.u32 v4, $0x10;
	v5 =	vand.u32 $0xFFFF0000, v5;
	v4 =	vld [tilespmem:s24+$0x4450];
	[tilespmem:s24+$0x10420] =	vst v0  }
0xc2: {  	s30 =	simm.s32 $0x400;
	v6 =	vor.u32 v6, v5;
	v5 =	vshrl.u32 v7, $0x10;
	v7 =	vadd.s32 $0x8000, v11;
	v0 =	vld [tilespmem:s25+$0x4460]  }
.LBB2_6:
0xc3: {  	p0 =	sne.s32 s30, $0xFE00;
	v8 =	vld [tilespmem:s25+$0x4470];
	[tilespmem:s24+$0x10430] =	vst v6;
	v6 =	vand.u32 $0xFFFF0000, v7;
	v1 =	vadd.s32 $0x8000, v1  }
0xc4: {  	v7 =	vld [tilespmem:s25+$0x400];
	v5 =	vor.u32 v5, v6;
	v1 =	vshrl.u32 v1, $0x10;
	v3 =	vadd.s32 $0x8000, v3  }
0xc5: {  	v6 =	vld [tilespmem:s25+$0x410];
	[tilespmem:s24+$0x10440] =	vst v5;
	v3 =	vand.u32 $0xFFFF0000, v3;
	v2 =	vadd.s32 $0x8000, v2  }
0xc6: {  	v5 =	vld [tilespmem:s25+$0x420];
	v1 =	vor.u32 v1, v3;
	v2 =	vshrl.u32 v2, $0x10;
	v3 =	vadd.s32 $0x8000, v4  }
0xc7: {  	v4 =	vld [tilespmem:s25+$0x430];
	[tilespmem:s24+$0x10450] =	vst v1;
	v1 =	vand.u32 $0xFFFF0000, v3  }
0xc8: {  	v0 =	vadd.s32 $0x8000, v0;
	v3 =	vld [tilespmem:s25+$0x440];
	v8 =	vadd.s32 $0x8000, v8;
	v1 =	vor.u32 v2, v1  }
0xc9: {  	v0 =	vshrl.u32 v0, $0x10;
	v2 =	vadd.s32 $0x8000, v7;
	v7 =	vld [tilespmem:s25+$0x450];
	v8 =	vand.u32 $0xFFFF0000, v8;
	[tilespmem:s24+$0x10460] =	vst v1;
	s24 =	smov.u32 s25  }
0xca: {  	v1 =	vshrl.u32 v2, $0x10;
	v2 =	vadd.s32 $0x8000, v6;
	v6 =	vld [tilespmem:s24+$0x460];
	v0 =	vor.u32 v0, v8  }
0xcb: {  	v2 =	vand.u32 $0xFFFF0000, v2;
	v5 =	vadd.s32 $0x8000, v5;
	v8 =	vld [tilespmem:s24+$0x470];
	[tilespmem:s24+$0x10470] =	vst v0  }
0xcc: {  	v0 =	vor.u32 v1, v2;
	v1 =	vshrl.u32 v5, $0x10;
	v2 =	vadd.s32 $0x8000, v4;
	v4 =	vld [tilespmem:s24+$0x4400]  }
0xcd: {  	[tilespmem:s24+$0x10400] =	vst v0;
	v0 =	vand.u32 $0xFFFF0000, v2;
	v2 =	vadd.s32 $0x8000, v3;
	v9 =	vld [tilespmem:s24+$0x4410]  }
.Ltmp2:
0xce: {  	v0 =	vor.u32 v1, v0;
	v2 =	vshrl.u32 v2, $0x10;
	v3 =	vadd.s32 $0x8000, v7;
	v1 =	vld [tilespmem:s24+$0x4420];
	(pc) =	sbr.rel @p0 .LBB2_6-.Ltmp2, $4  }
0xcf: {  	[tilespmem:s24+$0x10410] =	vst v0;
	v0 =	vand.u32 $0xFFFF0000, v3;
	v5 =	vadd.s32 $0x8000, v6;
	v3 =	vld [tilespmem:s24+$0x4430]  }
0xd0: {  	v0 =	vor.u32 v2, v0;
	v5 =	vshrl.u32 v5, $0x10;
	v6 =	vadd.s32 $0x8000, v8;
	v2 =	vld [tilespmem:s24+$0x4440]  }
0xd1: {  	s25 =	sshra.s32 s30, $0x2;
	[tilespmem:s24+$0x10420] =	vst v0;
	v6 =	vand.u32 $0xFFFF0000, v6;
	v7 =	vadd.s32 $0x8000, v4;
	v4 =	vld [tilespmem:s24+$0x4450]  }
0xd2: {  	s30 =	sadd.s32 $0x200, s30;
	v0 =	vld [tilespmem:s25+$0x4460];
	v6 =	vor.u32 v5, v6;
	v5 =	vshrl.u32 v7, $0x10;
	v7 =	vadd.s32 $0x8000, v9  }
0xd3: {  	v8 =	vld [tilespmem:s25+$0x4470];
	[tilespmem:s24+$0x10430] =	vst v6;
	v6 =	vand.u32 $0xFFFF0000, v7  }
0xd4: {  	v1 =	vadd.s32 $0x8000, v1;
	v7 =	vld [tilespmem:s25+$0x400];
	v5 =	vor.u32 v5, v6;
	v3 =	vadd.s32 $0x8000, v3  }
0xd5: {  	v6 =	vld [tilespmem:s25+$0x410];
	v1 =	vshrl.u32 v1, $0x10;
	[tilespmem:s24+$0x10440] =	vst v5;
	v3 =	vand.u32 $0xFFFF0000, v3  }
0xd6: {  	v2 =	vadd.s32 $0x8000, v2;
	v5 =	vld [tilespmem:s25+$0x420];
	v1 =	vor.u32 v1, v3;
	v4 =	vadd.s32 $0x8000, v4  }
0xd7: {  	v3 =	vld [tilespmem:s25+$0x430];
	[tilespmem:s24+$0x10450] =	vst v1;
	v1 =	vshrl.u32 v2, $0x10;
	v2 =	vand.u32 $0xFFFF0000, v4  }
0xd8: {  	v0 =	vadd.s32 $0x8000, v0;
	v4 =	vld [tilespmem:s25+$0x440];
	v1 =	vor.u32 v1, v2  }
0xd9: {  	v2 =	vld [tilespmem:s25+$0x450];
	v8 =	vadd.s32 $0x8000, v8;
	v0 =	vshrl.u32 v0, $0x10;
	[tilespmem:s24+$0x10460] =	vst v1  }
0xda: {  	v1 =	vand.u32 $0xFFFF0000, v8;
	v7 =	vadd.s32 $0x8000, v7;
	v6 =	vadd.s32 $0x8000, v6;
	v8 =	vld [tilespmem:s25+$0x460]  }
0xdb: {  	v0 =	vor.u32 v0, v1;
	v1 =	vld [tilespmem:s25+$0x470];
	v7 =	vshrl.u32 v7, $0x10;
	v6 =	vand.u32 $0xFFFF0000, v6  }
0xdc: {  	[tilespmem:s25+$0x10470] =	vst v0;
	v0 =	vor.u32 v7, v6;
	v6 =	vld [tilespmem:s25+$0x4400];
	v5 =	vadd.s32 $0x8000, v5;
	v3 =	vadd.s32 $0x8000, v3  }
0xdd: {  	v7 =	vld [tilespmem:s25+$0x4450];
	[tilespmem:s25+$0x10400] =	vst v0;
	v0 =	vshrl.u32 v5, $0x10;
	v3 =	vand.u32 $0xFFFF0000, v3  }
0xde: {  	v5 =	vld [tilespmem:s25+$0x4410];
	v0 =	vor.u32 v0, v3;
	v4 =	vadd.s32 $0x8000, v4;
	v2 =	vadd.s32 $0x8000, v2  }
0xdf: {  	v3 =	vld [tilespmem:s25+$0x4420];
	[tilespmem:s25+$0x10410] =	vst v0;
	v0 =	vshrl.u32 v4, $0x10;
	v2 =	vand.u32 $0xFFFF0000, v2  }
0xe0: {  	v4 =	vld [tilespmem:s25+$0x4430];
	v0 =	vor.u32 v0, v2  }
0xe1: {  	v2 =	vld [tilespmem:s25+$0x4440];
	v1 =	vadd.s32 $0x8000, v1;
	[tilespmem:s25+$0x10420] =	vst v0;
	v0 =	vadd.s32 $0x8000, v8  }
0xe2: {  	v1 =	vand.u32 $0xFFFF0000, v1;
	v0 =	vshrl.u32 v0, $0x10  }
0xe3: {  	v6 =	vadd.s32 $0x8000, v6;
	v0 =	vor.u32 v0, v1;
	v1 =	vadd.s32 $0x8000, v5  }
0xe4: {  	v5 =	vshrl.u32 v6, $0x10;
	v3 =	vadd.s32 $0x8000, v3;
	v1 =	vand.u32 $0xFFFF0000, v1  }
0xe5: {  	v3 =	vshrl.u32 v3, $0x10;
	v4 =	vadd.s32 $0x8000, v4;
	v1 =	vor.u32 v5, v1  }
0xe6: {  	[tilespmem:s25+$0x10430] =	vst v0;
	v0 =	vand.u32 $0xFFFF0000, v4;
	v2 =	vadd.s32 $0x8000, v2;
	v4 =	vadd.s32 $0x8000, v7  }
0xe7: {  	[tilespmem:s25+$0x10440] =	vst v1;
	v0 =	vor.u32 v3, v0;
	v1 =	vshrl.u32 v2, $0x10;
	v2 =	vand.u32 $0xFFFF0000, v4  }
0xe8: {  	[tilespmem:s25+$0x10450] =	vst v0;
	v0 =	vor.u32 v1, v2  }
0xe9: {  	[tilespmem:s25+$0x10460] =	vst v0;
	s25 =	simm.s32 $0x0  }
0xea: {  	[hbm4b:s9+s25] =	stream.linear.scatter [tilespmem:s23], [sflag:$0x5], $0x4000, $0x38;
	[tilespmem:$0x18400] =	vst v63  }
0xeb: {  	_ =	swait.ge [sflag:s26], $0x4000  }
0xec: {  	[sflag:s26] =	ssyncset.done $0x0  }
0xed: {  	[sflag:s26] =	ssyncadd.s32 $0xFFFFC000  }
0xee: {  	_ =	swait.ge [sflag:s28], $0x4000  }
0xef: {  	[sflag:s28] =	ssyncset.done $0x0  }
0xf0: {  	[sflag:s28] =	ssyncadd.s32 $0xFFFFC000  }
0xf1: {  	_ =	swait.ge [sflag:s2], $0x4000  }
0xf2: {  	[sflag:s2] =	ssyncset.done $0x0  }
0xf3: {  	s24 =	simm.s32 $0x0;
	[sflag:s2] =	ssyncadd.s32 $0xFFFFC000  }
0xf4: {  	v0 =	vld [tilespmem:s24+$0xC460]  }
0xf5: {  	v1 =	vld [tilespmem:s24+$0xC470]  }
0xf6: {  	v2 =	vld [tilespmem:s24+$0x8400]  }
0xf7: {  	v3 =	vld [tilespmem:s24+$0x8410]  }
0xf8: {  	v4 =	vld [tilespmem:s24+$0x8420]  }
0xf9: {  	v5 =	vld [tilespmem:s24+$0x8430]  }
0xfa: {  	v6 =	vld [tilespmem:s24+$0x8440]  }
0xfb: {  	v7 =	vld [tilespmem:s24+$0x8450];
	v0 =	vadd.s32 $0x8000, v0;
	v1 =	vadd.s32 $0x8000, v1;
	v2 =	vadd.s32 $0x8000, v2  }
0xfc: {  	v8 =	vld [tilespmem:s24+$0x8460];
	v3 =	vadd.s32 $0x8000, v3;
	v0 =	vshrl.u32 v0, $0x10;
	v1 =	vand.u32 $0xFFFF0000, v1  }
0xfd: {  	v9 =	vld [tilespmem:s24+$0x8470];
	v0 =	vor.u32 v0, v1;
	v1 =	vshrl.u32 v2, $0x10;
	v2 =	vand.u32 $0xFFFF0000, v3  }
0xfe: {  	v10 =	vld [tilespmem:s24+$0xC400];
	[tilespmem:s24+$0x14470] =	vst v0;
	v0 =	vor.u32 v1, v2;
	v1 =	vadd.s32 $0x8000, v4;
	v2 =	vadd.s32 $0x8000, v5  }
0xff: {  	v11 =	vld [tilespmem:s24+$0xC410];
	[tilespmem:s24+$0x14400] =	vst v0;
	v0 =	vshrl.u32 v1, $0x10;
	v1 =	vand.u32 $0xFFFF0000, v2  }
0x100: {  	v3 =	vadd.s32 $0x8000, v7;
	v2 =	vadd.s32 $0x8000, v6;
	v0 =	vor.u32 v0, v1;
	v1 =	vld [tilespmem:s24+$0xC420]  }
0x101: {  	[tilespmem:s24+$0x14410] =	vst v0;
	v0 =	vshrl.u32 v2, $0x10;
	v2 =	vand.u32 $0xFFFF0000, v3;
	v3 =	vld [tilespmem:s24+$0xC430]  }
0x102: {  	v4 =	vadd.s32 $0x8000, v8;
	v5 =	vadd.s32 $0x8000, v9;
	v0 =	vor.u32 v0, v2;
	v2 =	vld [tilespmem:s24+$0xC440]  }
0x103: {  	s25 =	simm.s32 $0x80;
	v7 =	vadd.s32 $0x8000, v10;
	v6 =	vshrl.u32 v4, $0x10;
	v5 =	vand.u32 $0xFFFF0000, v5;
	v4 =	vld [tilespmem:s24+$0xC450];
	[tilespmem:s24+$0x14420] =	vst v0  }
0x104: {  	s30 =	simm.s32 $0x400;
	v6 =	vor.u32 v6, v5;
	v5 =	vshrl.u32 v7, $0x10;
	v7 =	vadd.s32 $0x8000, v11;
	v0 =	vld [tilespmem:s25+$0xC460]  }
.LBB2_8:
0x105: {  	p0 =	sne.s32 s30, $0xFE00;
	v8 =	vld [tilespmem:s25+$0xC470];
	[tilespmem:s24+$0x14430] =	vst v6;
	v6 =	vand.u32 $0xFFFF0000, v7;
	v1 =	vadd.s32 $0x8000, v1  }
0x106: {  	v7 =	vld [tilespmem:s25+$0x8400];
	v5 =	vor.u32 v5, v6;
	v1 =	vshrl.u32 v1, $0x10;
	v3 =	vadd.s32 $0x8000, v3  }
0x107: {  	v6 =	vld [tilespmem:s25+$0x8410];
	[tilespmem:s24+$0x14440] =	vst v5;
	v3 =	vand.u32 $0xFFFF0000, v3;
	v2 =	vadd.s32 $0x8000, v2  }
0x108: {  	v5 =	vld [tilespmem:s25+$0x8420];
	v1 =	vor.u32 v1, v3;
	v2 =	vshrl.u32 v2, $0x10;
	v3 =	vadd.s32 $0x8000, v4  }
0x109: {  	v4 =	vld [tilespmem:s25+$0x8430];
	[tilespmem:s24+$0x14450] =	vst v1;
	v1 =	vand.u32 $0xFFFF0000, v3  }
0x10a: {  	v0 =	vadd.s32 $0x8000, v0;
	v3 =	vld [tilespmem:s25+$0x8440];
	v8 =	vadd.s32 $0x8000, v8;
	v1 =	vor.u32 v2, v1  }
0x10b: {  	v0 =	vshrl.u32 v0, $0x10;
	v2 =	vadd.s32 $0x8000, v7;
	v7 =	vld [tilespmem:s25+$0x8450];
	v8 =	vand.u32 $0xFFFF0000, v8;
	[tilespmem:s24+$0x14460] =	vst v1;
	s24 =	smov.u32 s25  }
0x10c: {  	v1 =	vshrl.u32 v2, $0x10;
	v2 =	vadd.s32 $0x8000, v6;
	v6 =	vld [tilespmem:s24+$0x8460];
	v0 =	vor.u32 v0, v8  }
0x10d: {  	v2 =	vand.u32 $0xFFFF0000, v2;
	v5 =	vadd.s32 $0x8000, v5;
	v8 =	vld [tilespmem:s24+$0x8470];
	[tilespmem:s24+$0x14470] =	vst v0  }
0x10e: {  	v0 =	vor.u32 v1, v2;
	v1 =	vshrl.u32 v5, $0x10;
	v2 =	vadd.s32 $0x8000, v4;
	v4 =	vld [tilespmem:s24+$0xC400]  }
0x10f: {  	[tilespmem:s24+$0x14400] =	vst v0;
	v0 =	vand.u32 $0xFFFF0000, v2;
	v2 =	vadd.s32 $0x8000, v3;
	v9 =	vld [tilespmem:s24+$0xC410]  }
.Ltmp3:
0x110: {  	v0 =	vor.u32 v1, v0;
	v2 =	vshrl.u32 v2, $0x10;
	v3 =	vadd.s32 $0x8000, v7;
	v1 =	vld [tilespmem:s24+$0xC420];
	(pc) =	sbr.rel @p0 .LBB2_8-.Ltmp3, $4  }
0x111: {  	[tilespmem:s24+$0x14410] =	vst v0;
	v0 =	vand.u32 $0xFFFF0000, v3;
	v5 =	vadd.s32 $0x8000, v6;
	v3 =	vld [tilespmem:s24+$0xC430]  }
0x112: {  	v0 =	vor.u32 v2, v0;
	v5 =	vshrl.u32 v5, $0x10;
	v6 =	vadd.s32 $0x8000, v8;
	v2 =	vld [tilespmem:s24+$0xC440]  }
0x113: {  	s25 =	sshra.s32 s30, $0x2;
	[tilespmem:s24+$0x14420] =	vst v0;
	v6 =	vand.u32 $0xFFFF0000, v6;
	v7 =	vadd.s32 $0x8000, v4;
	v4 =	vld [tilespmem:s24+$0xC450]  }
0x114: {  	s30 =	sadd.s32 $0x200, s30;
	v0 =	vld [tilespmem:s25+$0xC460];
	v6 =	vor.u32 v5, v6;
	v5 =	vshrl.u32 v7, $0x10;
	v7 =	vadd.s32 $0x8000, v9  }
0x115: {  	v8 =	vld [tilespmem:s25+$0xC470];
	[tilespmem:s24+$0x14430] =	vst v6;
	v36 =	vand.u32 $0xFFFF0000, v7  }
0x116: {  	v1 =	vadd.s32 $0x8000, v1;
	v37 =	vld [tilespmem:s25+$0x8400];
	v5 =	vor.u32 v5, v36;
	v3 =	vadd.s32 $0x8000, v3  }
0x117: {  	v38 =	vld [tilespmem:s25+$0x8410];
	v1 =	vshrl.u32 v1, $0x10;
	[tilespmem:s24+$0x14440] =	vst v5;
	v3 =	vand.u32 $0xFFFF0000, v3  }
0x118: {  	v2 =	vadd.s32 $0x8000, v2;
	v5 =	vld [tilespmem:s25+$0x8420];
	v1 =	vor.u32 v1, v3;
	v4 =	vadd.s32 $0x8000, v4  }
0x119: {  	v39 =	vld [tilespmem:s25+$0x8430];
	v40 =	vshrl.u32 v2, $0x10;
	[tilespmem:s24+$0x14450] =	vst v1;
	v41 =	vand.u32 $0xFFFF0000, v4  }
0x11a: {  	v42 =	vld [tilespmem:s25+$0x8440];
	v1 =	vor.u32 v40, v41  }
0x11b: {  	v43 =	vld [tilespmem:s25+$0x8450];
	[tilespmem:s24+$0x14460] =	vst v1  }
0x11c: {  	v45 =	vld [tilespmem:s25+$0x8460]  }
0x11d: {  	v46 =	vld [tilespmem:s25+$0x8470]  }
0x11e: {  	v0 =	vadd.s32 $0x8000, v0;
	v48 =	vld [tilespmem:s25+$0xC400]  }
0x11f: {  	v8 =	vadd.s32 $0x8000, v8;
	v0 =	vshrl.u32 v0, $0x10;
	v50 =	vld [tilespmem:s25+$0xC410]  }
0x120: {  	v44 =	vand.u32 $0xFFFF0000, v8;
	v7 =	vadd.s32 $0x8000, v37;
	v6 =	vadd.s32 $0x8000, v38;
	v51 =	vld [tilespmem:s25+$0xC420]  }
0x121: {  	v0 =	vor.u32 v0, v44;
	v7 =	vshrl.u32 v7, $0x10;
	v53 =	vld [tilespmem:s25+$0xC430];
	v5 =	vadd.s32 $0x8000, v5  }
0x122: {  	v6 =	vand.u32 $0xFFFF0000, v6;
	v54 =	vld [tilespmem:s25+$0xC440];
	v3 =	vadd.s32 $0x8000, v39;
	v49 =	vshrl.u32 v5, $0x10  }
0x123: {  	v56 =	vld [tilespmem:s25+$0xC450];
	v3 =	vand.u32 $0xFFFF0000, v3;
	v4 =	vadd.s32 $0x8000, v42;
	v2 =	vadd.s32 $0x8000, v43  }
0x124: {  	[tilespmem:s25+$0x14470] =	vst v0;
	v0 =	vor.u32 v49, v3;
	v52 =	vshrl.u32 v4, $0x10;
	v2 =	vand.u32 $0xFFFF0000, v2  }
0x125: {  	v47 =	vor.u32 v7, v6;
	[tilespmem:s25+$0x14410] =	vst v0;
	v0 =	vor.u32 v52, v2;
	v55 =	vadd.s32 $0x8000, v45  }
0x126: {  	v1 =	vadd.s32 $0x8000, v46;
	v6 =	vadd.s32 $0x8000, v48;
	v57 =	vadd.s32 $0x8000, v50  }
0x127: {  	v3 =	vadd.s32 $0x8000, v51;
	v4 =	vadd.s32 $0x8000, v53;
	v2 =	vadd.s32 $0x8000, v54  }
0x128: {  	v60 =	vadd.s32 $0x8000, v56;
	[tilespmem:s25+$0x14420] =	vst v0;
	v0 =	vshrl.u32 v55, $0x10;
	v1 =	vand.u32 $0xFFFF0000, v1  }
0x129: {  	[tilespmem:s25+$0x14400] =	vst v47;
	v61 =	vshrl.u32 v2, $0x10;
	v62 =	vand.u32 $0xFFFF0000, v60;
	v0 =	vor.u32 v0, v1  }
0x12a: {  	v58 =	vshrl.u32 v6, $0x10;
	v1 =	vand.u32 $0xFFFF0000, v57;
	v63 =	vor.u32 v61, v62;
	[tilespmem:s25+$0x14430] =	vst v0  }
0x12b: {  	v3 =	vshrl.u32 v3, $0x10;
	v59 =	vand.u32 $0xFFFF0000, v4;
	v1 =	vor.u32 v58, v1;
	[tilespmem:s25+$0x14460] =	vst v63  }
0x12c: {  	v0 =	vor.u32 v3, v59;
	[tilespmem:s25+$0x14440] =	vst v1  }
0x12d: {  	s19 =	sadd.s32 $0x1, s19;
	[tilespmem:s25+$0x14450] =	vst v0  }
0x12e: {  	[hbm4b:s10+s4] =	stream.linear.scatter [tilespmem:s29], [sflag:$0x6], $0x4000, $0x38;
	[tilespmem:$0x18400] =	vst v63  }
0x12f: {  	p0 =	sne.s32 s19, s11;
	_ =	swait.ge [sflag:s0], $0x4000  }
.Ltmp4:
0x130: {  	[sflag:s0] =	ssyncset.done $0x0;
	(pc) =	sbr.rel @p0 .LBB2_1-.Ltmp4, $4  }
0x131: {  	[sflag:s0] =	ssyncadd.s32 $0xFFFFC000  }
0x132: {  	_ =	swait.ge [sflag:s2], $0x4000  }
0x133: {  	[sflag:s2] =	ssyncset.done $0x0  }
0x134: {  	[sflag:s2] =	ssyncadd.s32 $0xFFFFC000  }
0x135: {  	_ =	sfence.sel $0x180000  }
0x136: {  	[bflag:$0x0] =	sbarrier.arrive $0xFFFF  }
0x137: {  	_ =	strace $0x90000047  }
0x138: {  	s0 =	stileid.u32;
	[bflag:$0x2] =	sbarrier.arrive $0xFFFF  }
0x139: {  	p0 =	sne.s32 s0, $0x0;
	s0 =	rddreg [dreg:$0x5]  }
0x13a: {  	s0 =	sadd.s32 @!p0 $0x100000, s0  }
0x13b: {  	[sflag:s0] =	ssyncadd.tile.s32 @!p0 $0x1;
	_ =	shalt  }
.Lfunc_end2:
_tile_overlayer_lowered:
.L_overlay_start_2:
0x13c: {  	(tag) =	ssettag $0x2  }
0x13d: {  	s0 =	rddreg [dreg:$0x0];
	s2 =	stileid.u32  }
0x13e: {  	s1 =	rddreg [dreg:$0x1];
	p0 =	sne.s32 s2, $0x0  }
0x13f: {  	s3 =	rddreg [dreg:$0x2];
	[bflag:$0x3] =	sbarrier.arrive $0xFFFF;
	s2 =	simm.s32 @!p0 $0x1C09  }
0x140: {  	[timem:s3], [sflag:s2] =	dma.local @!p0 [hbm:s0], s1  }
0x141: {  	s0 =	simm.s32 @!p0 $0x9  }
0x142: {  	_ =	swait.ge @!p0 [sflag:s0], s1  }
0x143: {  	s1 =	ssub.s32 @!p0 $0x0, s1;
	[sflag:s0] =	ssyncset.done @!p0 $0x0  }
0x144: {  	[sflag:s0] =	ssyncadd.s32 @!p0 s1  }
0x145: {  	[bflag:$0x3] =	sbarrier.arrive $0xFFFF  }
0x146: {  	_ =	shalt  }

</sc_bundles>
